<compile_context>
chip_gen: v7x
topology: tpu7x:2x2x1
jax: 0.10.2.dev20260603
libtpu: 0.0.44.dev20260713+nightly
codegen_flags: <defaults>
</compile_context>

<pallas_src>
import functools

import jax
import jax.numpy as jnp
from jax import lax
from jax.experimental import pallas as pl
from jax.experimental.pallas import tpu as pltpu
from jax.experimental.pallas import tpu_sc as plsc

B = 4096
L = 50
EMB = 128

_info = plsc.get_sparse_core_info()
NC = _info.num_cores
NS = _info.num_subcores
NW = NC * NS
RPW = B // NW
RPG = 2
NBUF = 8
NOUT = RPW // (RPG * NBUF)

_mesh = plsc.VectorSubcoreMesh(core_axis_name="c", subcore_axis_name="s")


@functools.partial(
    pl.kernel,
    mesh=_mesh,
    out_type=jax.ShapeDtypeStruct((B, L, EMB), jnp.float32),
    scratch_types=(
        [pltpu.VMEM((RPW // RPG, RPG * L), jnp.int32)]
        + [pltpu.VMEM((RPG * L, EMB), jnp.float32) for _ in range(NBUF)]
        + [pltpu.SemaphoreType.DMA for _ in range(2 * NBUF)]
    ),
    compiler_params=pltpu.CompilerParams(use_tc_tiling_on_sc=True, needs_layout_passes=False),
)
def _embed(xf_hbm, w_hbm, out_hbm, idx, *bufs_and_sems):
    rows = bufs_and_sems[:NBUF]
    gsem = bufs_and_sems[NBUF:2 * NBUF]
    ssem = bufs_and_sems[2 * NBUF:]

    wid = lax.axis_index("s") * NC + lax.axis_index("c")
    xr0 = wid * RPW
    pltpu.sync_copy(xf_hbm.at[pl.ds(wid * (RPW // RPG), RPW // RPG), :], idx)

    def gather(i, b):
        pltpu.async_copy(w_hbm.at[idx.at[i]], rows[b], gsem[b])

    def gather_wait(b):
        pltpu.make_async_copy(w_hbm.at[idx.at[0]], rows[b], gsem[b]).wait()

    def store(i, b):
        for r in range(RPG):
            pltpu.async_copy(
                rows[b].at[pl.ds(r * L, L)], out_hbm.at[xr0 + i * RPG + r], ssem[b]
            )

    def store_wait(b):
        for _ in range(RPG):
            pltpu.make_async_copy(rows[b].at[pl.ds(0, L)], out_hbm.at[xr0], ssem[b]).wait()

    for b in range(NBUF):
        gather(b, b)

    def body(it, carry):
        i0 = it * NBUF
        for b in range(NBUF):
            gather_wait(b)
            store(i0 + b, b)
        for b in range(NBUF):
            @pl.when(it < NOUT - 1)
            def _():
                store_wait(b)
                gather(i0 + NBUF + b, b)
        return carry

    lax.fori_loop(0, NOUT, body, 0)

    for b in range(NBUF):
        store_wait(b)


def kernel(x, weight):
    return _embed(x.reshape(B // RPG, RPG * L), weight)

# --- scband reference (transcript-rebuilt; emitter-appended) ---
"""Pipeline reference for scband-embeddings-86655260164385 (READ-ONLY COPY).

The authoritative reference and input builder live on the scoring server;
editing this copy changes nothing except your own understanding.
"""

import jax, jax.numpy as jnp
import numpy as np

VOC = 100000
EMB = 128
B = 4096
L = 50
PAD_IDX = 0


def setup_inputs(seed: int = 0) -> dict:
    key = jax.random.key(seed)
    k1, k2 = jax.random.split(key)
    x = jax.random.randint(k1, (B, L), 0, VOC)
    # Pretrained embedding matrix passed to the module's __init__ and assigned
    # as the nn.Embedding weight (already sliced to [voc_size, emb_size]).
    weight = jax.random.normal(k2, (VOC, EMB), dtype=jnp.float32) * 0.02
    # torch nn.Embedding with padding_idx zero-initializes the pad row by
    # convention; keep row PAD_IDX as provided weights since the module
    # overwrites weight with the pretrained embeddings, but zeroing it mimics
    # typical pretrained setups where pad vector is zero.
    weight = weight.at[PAD_IDX].set(0.0)
    return {"x": x, "weight": weight}


def reference(x, weight):
    # Faithful translation of forward: o = self.embed(x)
    # nn.Embedding forward is a pure row gather; padding_idx does not alter
    # the forward math (it only zeroes the gradient of that row).
    o = jnp.take(weight, x, axis=0)
    return o

if __name__ == "__main__":
    import jax
    _d = setup_inputs()
    print(jax.jit(kernel)(*tuple(_d.values())))

</pallas_src>

<mosaic_0001>
#map = affine_map<(d0, d1) -> (0, 0)>
#map1 = affine_map<(d0, d1) -> (0, 0, 0)>
module attributes {stable_mosaic.version = 14 : i64} {
  func.func @_embed(%arg0: i32, %arg1: i32, %arg2: memref<2048x100xi32, #tpu.memory_space<hbm>>, %arg3: memref<100000x128xf32, #tpu.memory_space<hbm>>, %arg4: memref<4096x50x128xf32, #tpu.memory_space<hbm>>, %arg5: memref<64x100xi32, #tpu.memory_space<vmem>>, %arg6: memref<100x128xf32, #tpu.memory_space<vmem>>, %arg7: memref<100x128xf32, #tpu.memory_space<vmem>>, %arg8: memref<100x128xf32, #tpu.memory_space<vmem>>, %arg9: memref<100x128xf32, #tpu.memory_space<vmem>>, %arg10: memref<100x128xf32, #tpu.memory_space<vmem>>, %arg11: memref<100x128xf32, #tpu.memory_space<vmem>>, %arg12: memref<100x128xf32, #tpu.memory_space<vmem>>, %arg13: memref<100x128xf32, #tpu.memory_space<vmem>>, %arg14: memref<!tpu.dma_semaphore, #tpu.memory_space<semaphore_mem>>, %arg15: memref<!tpu.dma_semaphore, #tpu.memory_space<semaphore_mem>>, %arg16: memref<!tpu.dma_semaphore, #tpu.memory_space<semaphore_mem>>, %arg17: memref<!tpu.dma_semaphore, #tpu.memory_space<semaphore_mem>>, %arg18: memref<!tpu.dma_semaphore, #tpu.memory_space<semaphore_mem>>, %arg19: memref<!tpu.dma_semaphore, #tpu.memory_space<semaphore_mem>>, %arg20: memref<!tpu.dma_semaphore, #tpu.memory_space<semaphore_mem>>, %arg21: memref<!tpu.dma_semaphore, #tpu.memory_space<semaphore_mem>>, %arg22: memref<!tpu.dma_semaphore, #tpu.memory_space<semaphore_mem>>, %arg23: memref<!tpu.dma_semaphore, #tpu.memory_space<semaphore_mem>>, %arg24: memref<!tpu.dma_semaphore, #tpu.memory_space<semaphore_mem>>, %arg25: memref<!tpu.dma_semaphore, #tpu.memory_space<semaphore_mem>>, %arg26: memref<!tpu.dma_semaphore, #tpu.memory_space<semaphore_mem>>, %arg27: memref<!tpu.dma_semaphore, #tpu.memory_space<semaphore_mem>>, %arg28: memref<!tpu.dma_semaphore, #tpu.memory_space<semaphore_mem>>, %arg29: memref<!tpu.dma_semaphore, #tpu.memory_space<semaphore_mem>>) attributes {dimension_semantics = [#tpu.dimension_semantics<core_parallel>, #tpu.dimension_semantics<subcore_parallel>], iteration_bounds = array<i64: 2, 16>, scalar_prefetch = 0 : i64, scratch_operands = 25 : i64, tpu.core_type = #tpu.core_type<sc_vector_subcore>, window_params = [{transform_indices = #map}, {transform_indices = #map}, {transform_indices = #map1}]} {
    %mul3A = arith.constant 2 : i32
    %mul3A_0 = arith.muli %arg1, %mul3A : i32
    %add3A = arith.addi %mul3A_0, %arg0 : i32
    %mul3A_1 = arith.constant 128 : i32
    %mul3A_2 = arith.muli %add3A, %mul3A_1 : i32
    %mul3A_3 = arith.constant 64 : i32
    %mul3A_4 = arith.muli %add3A, %mul3A_3 : i32
    "tpu.region"() ({
      %run_scoped3A = tpu.sem_alloc : memref<!tpu.dma_semaphore, #tpu.memory_space<semaphore_mem>>
      %dma_start3A_288 = arith.constant 0 : i32
      %dma_start3A_289 = tpu.memref_slice %arg2[%mul3A_4, %dma_start3A_288] : memref<2048x100xi32, #tpu.memory_space<hbm>> -> memref<64x100xi32, #tpu.memory_space<hbm>>
      %dma_start3A_290 = arith.constant 0 : i32
      %dma_start3A_291 = tpu.memref_slice %arg2[%mul3A_4, %dma_start3A_290] : memref<2048x100xi32, #tpu.memory_space<hbm>> -> memref<64x100xi32, #tpu.memory_space<hbm>>
      tpu.enqueue_dma source(%dma_start3A_291 : memref<64x100xi32, #tpu.memory_space<hbm>>) target(%arg5 : memref<64x100xi32, #tpu.memory_space<vmem>>) target_semaphore(%run_scoped3A : memref<!tpu.dma_semaphore, #tpu.memory_space<semaphore_mem>>)
      %dma_wait3A_292 = arith.constant 0 : i32
      %dma_wait3A_293 = tpu.memref_slice %arg2[%mul3A_4, %dma_wait3A_292] : memref<2048x100xi32, #tpu.memory_space<hbm>> -> memref<64x100xi32, #tpu.memory_space<hbm>>
      %dma_wait3A_294 = arith.constant 0 : i32
      %dma_wait3A_295 = tpu.memref_slice %arg2[%mul3A_4, %dma_wait3A_294] : memref<2048x100xi32, #tpu.memory_space<hbm>> -> memref<64x100xi32, #tpu.memory_space<hbm>>
      tpu.wait_dma2 semaphore(%run_scoped3A : memref<!tpu.dma_semaphore, #tpu.memory_space<semaphore_mem>>) src(%dma_wait3A_295 : memref<64x100xi32, #tpu.memory_space<hbm>>) dst(%arg5 : memref<64x100xi32, #tpu.memory_space<vmem>>)
      tpu.yield
    }) : () -> ()
    %dma_start3A = arith.constant 0 : i32
    %dma_start3A_5 = arith.constant 0 : i32
    %dma_start3A_6 = tpu.memref_slice %arg5[%dma_start3A, %dma_start3A_5] : memref<64x100xi32, #tpu.memory_space<vmem>> -> memref<1x100xi32, #tpu.memory_space<vmem>>
    %dma_start3A_7 = tpu.memref_squeeze %dma_start3A_6 : memref<1x100xi32, #tpu.memory_space<vmem>> -> memref<100xi32, #tpu.memory_space<vmem>>
    %dma_start3A_8 = arith.constant 0 : i32
    %dma_start3A_9 = arith.constant 0 : i32
    %dma_start3A_10 = tpu.memref_slice %arg3[%dma_start3A_8, %dma_start3A_9] : memref<100000x128xf32, #tpu.memory_space<hbm>> -> memref<100000x128xf32, #tpu.memory_space<hbm>>
    tpu.enqueue_indirect_dma source(%dma_start3A_10 : memref<100000x128xf32, #tpu.memory_space<hbm>>) target(%arg6 : memref<100x128xf32, #tpu.memory_space<vmem>>) offsets(%dma_start3A_7 : memref<100xi32, #tpu.memory_space<vmem>>) semaphore(%arg14 : memref<!tpu.dma_semaphore, #tpu.memory_space<semaphore_mem>>)
    %dma_start3A_11 = arith.constant 1 : i32
    %dma_start3A_12 = arith.constant 0 : i32
    %dma_start3A_13 = tpu.memref_slice %arg5[%dma_start3A_11, %dma_start3A_12] : memref<64x100xi32, #tpu.memory_space<vmem>> -> memref<1x100xi32, #tpu.memory_space<vmem>>
    %dma_start3A_14 = tpu.memref_squeeze %dma_start3A_13 : memref<1x100xi32, #tpu.memory_space<vmem>> -> memref<100xi32, #tpu.memory_space<vmem>>
    %dma_start3A_15 = arith.constant 0 : i32
    %dma_start3A_16 = arith.constant 0 : i32
    %dma_start3A_17 = tpu.memref_slice %arg3[%dma_start3A_15, %dma_start3A_16] : memref<100000x128xf32, #tpu.memory_space<hbm>> -> memref<100000x128xf32, #tpu.memory_space<hbm>>
    tpu.enqueue_indirect_dma source(%dma_start3A_17 : memref<100000x128xf32, #tpu.memory_space<hbm>>) target(%arg7 : memref<100x128xf32, #tpu.memory_space<vmem>>) offsets(%dma_start3A_14 : memref<100xi32, #tpu.memory_space<vmem>>) semaphore(%arg15 : memref<!tpu.dma_semaphore, #tpu.memory_space<semaphore_mem>>)
    %dma_start3A_18 = arith.constant 2 : i32
    %dma_start3A_19 = arith.constant 0 : i32
    %dma_start3A_20 = tpu.memref_slice %arg5[%dma_start3A_18, %dma_start3A_19] : memref<64x100xi32, #tpu.memory_space<vmem>> -> memref<1x100xi32, #tpu.memory_space<vmem>>
    %dma_start3A_21 = tpu.memref_squeeze %dma_start3A_20 : memref<1x100xi32, #tpu.memory_space<vmem>> -> memref<100xi32, #tpu.memory_space<vmem>>
    %dma_start3A_22 = arith.constant 0 : i32
    %dma_start3A_23 = arith.constant 0 : i32
    %dma_start3A_24 = tpu.memref_slice %arg3[%dma_start3A_22, %dma_start3A_23] : memref<100000x128xf32, #tpu.memory_space<hbm>> -> memref<100000x128xf32, #tpu.memory_space<hbm>>
    tpu.enqueue_indirect_dma source(%dma_start3A_24 : memref<100000x128xf32, #tpu.memory_space<hbm>>) target(%arg8 : memref<100x128xf32, #tpu.memory_space<vmem>>) offsets(%dma_start3A_21 : memref<100xi32, #tpu.memory_space<vmem>>) semaphore(%arg16 : memref<!tpu.dma_semaphore, #tpu.memory_space<semaphore_mem>>)
    %dma_start3A_25 = arith.constant 3 : i32
    %dma_start3A_26 = arith.constant 0 : i32
    %dma_start3A_27 = tpu.memref_slice %arg5[%dma_start3A_25, %dma_start3A_26] : memref<64x100xi32, #tpu.memory_space<vmem>> -> memref<1x100xi32, #tpu.memory_space<vmem>>
    %dma_start3A_28 = tpu.memref_squeeze %dma_start3A_27 : memref<1x100xi32, #tpu.memory_space<vmem>> -> memref<100xi32, #tpu.memory_space<vmem>>
    %dma_start3A_29 = arith.constant 0 : i32
    %dma_start3A_30 = arith.constant 0 : i32
    %dma_start3A_31 = tpu.memref_slice %arg3[%dma_start3A_29, %dma_start3A_30] : memref<100000x128xf32, #tpu.memory_space<hbm>> -> memref<100000x128xf32, #tpu.memory_space<hbm>>
    tpu.enqueue_indirect_dma source(%dma_start3A_31 : memref<100000x128xf32, #tpu.memory_space<hbm>>) target(%arg9 : memref<100x128xf32, #tpu.memory_space<vmem>>) offsets(%dma_start3A_28 : memref<100xi32, #tpu.memory_space<vmem>>) semaphore(%arg17 : memref<!tpu.dma_semaphore, #tpu.memory_space<semaphore_mem>>)
    %dma_start3A_32 = arith.constant 4 : i32
    %dma_start3A_33 = arith.constant 0 : i32
    %dma_start3A_34 = tpu.memref_slice %arg5[%dma_start3A_32, %dma_start3A_33] : memref<64x100xi32, #tpu.memory_space<vmem>> -> memref<1x100xi32, #tpu.memory_space<vmem>>
    %dma_start3A_35 = tpu.memref_squeeze %dma_start3A_34 : memref<1x100xi32, #tpu.memory_space<vmem>> -> memref<100xi32, #tpu.memory_space<vmem>>
    %dma_start3A_36 = arith.constant 0 : i32
    %dma_start3A_37 = arith.constant 0 : i32
    %dma_start3A_38 = tpu.memref_slice %arg3[%dma_start3A_36, %dma_start3A_37] : memref<100000x128xf32, #tpu.memory_space<hbm>> -> memref<100000x128xf32, #tpu.memory_space<hbm>>
    tpu.enqueue_indirect_dma source(%dma_start3A_38 : memref<100000x128xf32, #tpu.memory_space<hbm>>) target(%arg10 : memref<100x128xf32, #tpu.memory_space<vmem>>) offsets(%dma_start3A_35 : memref<100xi32, #tpu.memory_space<vmem>>) semaphore(%arg18 : memref<!tpu.dma_semaphore, #tpu.memory_space<semaphore_mem>>)
    %dma_start3A_39 = arith.constant 5 : i32
    %dma_start3A_40 = arith.constant 0 : i32
    %dma_start3A_41 = tpu.memref_slice %arg5[%dma_start3A_39, %dma_start3A_40] : memref<64x100xi32, #tpu.memory_space<vmem>> -> memref<1x100xi32, #tpu.memory_space<vmem>>
    %dma_start3A_42 = tpu.memref_squeeze %dma_start3A_41 : memref<1x100xi32, #tpu.memory_space<vmem>> -> memref<100xi32, #tpu.memory_space<vmem>>
    %dma_start3A_43 = arith.constant 0 : i32
    %dma_start3A_44 = arith.constant 0 : i32
    %dma_start3A_45 = tpu.memref_slice %arg3[%dma_start3A_43, %dma_start3A_44] : memref<100000x128xf32, #tpu.memory_space<hbm>> -> memref<100000x128xf32, #tpu.memory_space<hbm>>
    tpu.enqueue_indirect_dma source(%dma_start3A_45 : memref<100000x128xf32, #tpu.memory_space<hbm>>) target(%arg11 : memref<100x128xf32, #tpu.memory_space<vmem>>) offsets(%dma_start3A_42 : memref<100xi32, #tpu.memory_space<vmem>>) semaphore(%arg19 : memref<!tpu.dma_semaphore, #tpu.memory_space<semaphore_mem>>)
    %dma_start3A_46 = arith.constant 6 : i32
    %dma_start3A_47 = arith.constant 0 : i32
    %dma_start3A_48 = tpu.memref_slice %arg5[%dma_start3A_46, %dma_start3A_47] : memref<64x100xi32, #tpu.memory_space<vmem>> -> memref<1x100xi32, #tpu.memory_space<vmem>>
    %dma_start3A_49 = tpu.memref_squeeze %dma_start3A_48 : memref<1x100xi32, #tpu.memory_space<vmem>> -> memref<100xi32, #tpu.memory_space<vmem>>
    %dma_start3A_50 = arith.constant 0 : i32
    %dma_start3A_51 = arith.constant 0 : i32
    %dma_start3A_52 = tpu.memref_slice %arg3[%dma_start3A_50, %dma_start3A_51] : memref<100000x128xf32, #tpu.memory_space<hbm>> -> memref<100000x128xf32, #tpu.memory_space<hbm>>
    tpu.enqueue_indirect_dma source(%dma_start3A_52 : memref<100000x128xf32, #tpu.memory_space<hbm>>) target(%arg12 : memref<100x128xf32, #tpu.memory_space<vmem>>) offsets(%dma_start3A_49 : memref<100xi32, #tpu.memory_space<vmem>>) semaphore(%arg20 : memref<!tpu.dma_semaphore, #tpu.memory_space<semaphore_mem>>)
    %dma_start3A_53 = arith.constant 7 : i32
    %dma_start3A_54 = arith.constant 0 : i32
    %dma_start3A_55 = tpu.memref_slice %arg5[%dma_start3A_53, %dma_start3A_54] : memref<64x100xi32, #tpu.memory_space<vmem>> -> memref<1x100xi32, #tpu.memory_space<vmem>>
    %dma_start3A_56 = tpu.memref_squeeze %dma_start3A_55 : memref<1x100xi32, #tpu.memory_space<vmem>> -> memref<100xi32, #tpu.memory_space<vmem>>
    %dma_start3A_57 = arith.constant 0 : i32
    %dma_start3A_58 = arith.constant 0 : i32
    %dma_start3A_59 = tpu.memref_slice %arg3[%dma_start3A_57, %dma_start3A_58] : memref<100000x128xf32, #tpu.memory_space<hbm>> -> memref<100000x128xf32, #tpu.memory_space<hbm>>
    tpu.enqueue_indirect_dma source(%dma_start3A_59 : memref<100000x128xf32, #tpu.memory_space<hbm>>) target(%arg13 : memref<100x128xf32, #tpu.memory_space<vmem>>) offsets(%dma_start3A_56 : memref<100xi32, #tpu.memory_space<vmem>>) semaphore(%arg21 : memref<!tpu.dma_semaphore, #tpu.memory_space<semaphore_mem>>)
    %scan3A = arith.constant 0 : i32
    %scan3A_60 = arith.constant 0 : i32
    %scan3A_61 = arith.constant 8 : i32
    %scan3A_62 = arith.addi %scan3A_60, %scan3A_61 : i32
    %scan3A_63 = arith.constant 1 : i32
    scf.for %scan3A_288 = %scan3A_60 to %scan3A_62 step %scan3A_63  : i32 {
      %mul3A_289 = arith.constant 8 : i32
      %mul3A_290 = arith.muli %scan3A_288, %mul3A_289 : i32
      %dma_wait3A_291 = arith.constant 0 : i32
      %dma_wait3A_292 = arith.constant 0 : i32
      %dma_wait3A_293 = tpu.memref_slice %arg5[%dma_wait3A_291, %dma_wait3A_292] : memref<64x100xi32, #tpu.memory_space<vmem>> -> memref<1x100xi32, #tpu.memory_space<vmem>>
      %dma_wait3A_294 = tpu.memref_squeeze %dma_wait3A_293 : memref<1x100xi32, #tpu.memory_space<vmem>> -> memref<100xi32, #tpu.memory_space<vmem>>
      %dma_wait3A_295 = arith.constant 0 : i32
      %dma_wait3A_296 = arith.constant 0 : i32
      %dma_wait3A_297 = tpu.memref_slice %arg3[%dma_wait3A_295, %dma_wait3A_296] : memref<100000x128xf32, #tpu.memory_space<hbm>> -> memref<100000x128xf32, #tpu.memory_space<hbm>>
      tpu.wait_indirect_dma semaphore(%arg14 : memref<!tpu.dma_semaphore, #tpu.memory_space<semaphore_mem>>) src(%dma_wait3A_297 : memref<100000x128xf32, #tpu.memory_space<hbm>>) dst(%arg6 : memref<100x128xf32, #tpu.memory_space<vmem>>)
      %add3A_298 = arith.constant 0 : i32
      %add3A_299 = arith.addi %mul3A_290, %add3A_298 : i32
      %mul3A_300 = arith.constant 2 : i32
      %mul3A_301 = arith.muli %add3A_299, %mul3A_300 : i32
      %add3A_302 = arith.addi %mul3A_2, %mul3A_301 : i32
      %add3A_303 = arith.constant 0 : i32
      %add3A_304 = arith.addi %add3A_302, %add3A_303 : i32
      %dma_start3A_305 = arith.constant 0 : i32
      %dma_start3A_306 = arith.constant 0 : i32
      %dma_start3A_307 = tpu.memref_slice %arg6[%dma_start3A_305, %dma_start3A_306] : memref<100x128xf32, #tpu.memory_space<vmem>> -> memref<50x128xf32, #tpu.memory_space<vmem>>
      %dma_start3A_308 = arith.constant 0 : i32
      %dma_start3A_309 = arith.constant 0 : i32
      %dma_start3A_310 = tpu.memref_slice %arg4[%add3A_304, %dma_start3A_308, %dma_start3A_309] : memref<4096x50x128xf32, #tpu.memory_space<hbm>> -> memref<1x50x128xf32, #tpu.memory_space<hbm>>
      %dma_start3A_311 = tpu.memref_squeeze %dma_start3A_310 : memref<1x50x128xf32, #tpu.memory_space<hbm>> -> memref<50x128xf32, #tpu.memory_space<hbm>>
      %dma_start3A_312 = arith.constant 0 : i32
      %dma_start3A_313 = arith.constant 0 : i32
      %dma_start3A_314 = tpu.memref_slice %arg4[%add3A_304, %dma_start3A_312, %dma_start3A_313] : memref<4096x50x128xf32, #tpu.memory_space<hbm>> -> memref<1x50x128xf32, #tpu.memory_space<hbm>>
      %dma_start3A_315 = tpu.memref_squeeze %dma_start3A_314 : memref<1x50x128xf32, #tpu.memory_space<hbm>> -> memref<50x128xf32, #tpu.memory_space<hbm>>
      %dma_start3A_316 = arith.constant 0 : i32
      %dma_start3A_317 = arith.constant 0 : i32
      %dma_start3A_318 = tpu.memref_slice %arg6[%dma_start3A_316, %dma_start3A_317] : memref<100x128xf32, #tpu.memory_space<vmem>> -> memref<50x128xf32, #tpu.memory_space<vmem>>
      tpu.enqueue_dma source(%dma_start3A_318 : memref<50x128xf32, #tpu.memory_space<vmem>>) target(%dma_start3A_315 : memref<50x128xf32, #tpu.memory_space<hbm>>) target_semaphore(%arg22 : memref<!tpu.dma_semaphore, #tpu.memory_space<semaphore_mem>>)
      %mul3A_319 = arith.constant 2 : i32
      %mul3A_320 = arith.muli %add3A_299, %mul3A_319 : i32
      %add3A_321 = arith.addi %mul3A_2, %mul3A_320 : i32
      %add3A_322 = arith.constant 1 : i32
      %add3A_323 = arith.addi %add3A_321, %add3A_322 : i32
      %dma_start3A_324 = arith.constant 50 : i32
      %dma_start3A_325 = arith.constant 0 : i32
      %dma_start3A_326 = tpu.memref_slice %arg6[%dma_start3A_324, %dma_start3A_325] : memref<100x128xf32, #tpu.memory_space<vmem>> -> memref<50x128xf32, #tpu.memory_space<vmem>>
      %dma_start3A_327 = arith.constant 0 : i32
      %dma_start3A_328 = arith.constant 0 : i32
      %dma_start3A_329 = tpu.memref_slice %arg4[%add3A_323, %dma_start3A_327, %dma_start3A_328] : memref<4096x50x128xf32, #tpu.memory_space<hbm>> -> memref<1x50x128xf32, #tpu.memory_space<hbm>>
      %dma_start3A_330 = tpu.memref_squeeze %dma_start3A_329 : memref<1x50x128xf32, #tpu.memory_space<hbm>> -> memref<50x128xf32, #tpu.memory_space<hbm>>
      %dma_start3A_331 = arith.constant 0 : i32
      %dma_start3A_332 = arith.constant 0 : i32
      %dma_start3A_333 = tpu.memref_slice %arg4[%add3A_323, %dma_start3A_331, %dma_start3A_332] : memref<4096x50x128xf32, #tpu.memory_space<hbm>> -> memref<1x50x128xf32, #tpu.memory_space<hbm>>
      %dma_start3A_334 = tpu.memref_squeeze %dma_start3A_333 : memref<1x50x128xf32, #tpu.memory_space<hbm>> -> memref<50x128xf32, #tpu.memory_space<hbm>>
      %dma_start3A_335 = arith.constant 50 : i32
      %dma_start3A_336 = arith.constant 0 : i32
      %dma_start3A_337 = tpu.memref_slice %arg6[%dma_start3A_335, %dma_start3A_336] : memref<100x128xf32, #tpu.memory_space<vmem>> -> memref<50x128xf32, #tpu.memory_space<vmem>>
      tpu.enqueue_dma source(%dma_start3A_337 : memref<50x128xf32, #tpu.memory_space<vmem>>) target(%dma_start3A_334 : memref<50x128xf32, #tpu.memory_space<hbm>>) target_semaphore(%arg22 : memref<!tpu.dma_semaphore, #tpu.memory_space<semaphore_mem>>)
      %dma_wait3A_338 = arith.constant 0 : i32
      %dma_wait3A_339 = arith.constant 0 : i32
      %dma_wait3A_340 = tpu.memref_slice %arg5[%dma_wait3A_338, %dma_wait3A_339] : memref<64x100xi32, #tpu.memory_space<vmem>> -> memref<1x100xi32, #tpu.memory_space<vmem>>
      %dma_wait3A_341 = tpu.memref_squeeze %dma_wait3A_340 : memref<1x100xi32, #tpu.memory_space<vmem>> -> memref<100xi32, #tpu.memory_space<vmem>>
      %dma_wait3A_342 = arith.constant 0 : i32
      %dma_wait3A_343 = arith.constant 0 : i32
      %dma_wait3A_344 = tpu.memref_slice %arg3[%dma_wait3A_342, %dma_wait3A_343] : memref<100000x128xf32, #tpu.memory_space<hbm>> -> memref<100000x128xf32, #tpu.memory_space<hbm>>
      tpu.wait_indirect_dma semaphore(%arg15 : memref<!tpu.dma_semaphore, #tpu.memory_space<semaphore_mem>>) src(%dma_wait3A_344 : memref<100000x128xf32, #tpu.memory_space<hbm>>) dst(%arg7 : memref<100x128xf32, #tpu.memory_space<vmem>>)
      %add3A_345 = arith.constant 1 : i32
      %add3A_346 = arith.addi %mul3A_290, %add3A_345 : i32
      %mul3A_347 = arith.constant 2 : i32
      %mul3A_348 = arith.muli %add3A_346, %mul3A_347 : i32
      %add3A_349 = arith.addi %mul3A_2, %mul3A_348 : i32
      %add3A_350 = arith.constant 0 : i32
      %add3A_351 = arith.addi %add3A_349, %add3A_350 : i32
      %dma_start3A_352 = arith.constant 0 : i32
      %dma_start3A_353 = arith.constant 0 : i32
      %dma_start3A_354 = tpu.memref_slice %arg7[%dma_start3A_352, %dma_start3A_353] : memref<100x128xf32, #tpu.memory_space<vmem>> -> memref<50x128xf32, #tpu.memory_space<vmem>>
      %dma_start3A_355 = arith.constant 0 : i32
      %dma_start3A_356 = arith.constant 0 : i32
      %dma_start3A_357 = tpu.memref_slice %arg4[%add3A_351, %dma_start3A_355, %dma_start3A_356] : memref<4096x50x128xf32, #tpu.memory_space<hbm>> -> memref<1x50x128xf32, #tpu.memory_space<hbm>>
      %dma_start3A_358 = tpu.memref_squeeze %dma_start3A_357 : memref<1x50x128xf32, #tpu.memory_space<hbm>> -> memref<50x128xf32, #tpu.memory_space<hbm>>
      %dma_start3A_359 = arith.constant 0 : i32
      %dma_start3A_360 = arith.constant 0 : i32
      %dma_start3A_361 = tpu.memref_slice %arg4[%add3A_351, %dma_start3A_359, %dma_start3A_360] : memref<4096x50x128xf32, #tpu.memory_space<hbm>> -> memref<1x50x128xf32, #tpu.memory_space<hbm>>
      %dma_start3A_362 = tpu.memref_squeeze %dma_start3A_361 : memref<1x50x128xf32, #tpu.memory_space<hbm>> -> memref<50x128xf32, #tpu.memory_space<hbm>>
      %dma_start3A_363 = arith.constant 0 : i32
      %dma_start3A_364 = arith.constant 0 : i32
      %dma_start3A_365 = tpu.memref_slice %arg7[%dma_start3A_363, %dma_start3A_364] : memref<100x128xf32, #tpu.memory_space<vmem>> -> memref<50x128xf32, #tpu.memory_space<vmem>>
      tpu.enqueue_dma source(%dma_start3A_365 : memref<50x128xf32, #tpu.memory_space<vmem>>) target(%dma_start3A_362 : memref<50x128xf32, #tpu.memory_space<hbm>>) target_semaphore(%arg23 : memref<!tpu.dma_semaphore, #tpu.memory_space<semaphore_mem>>)
      %mul3A_366 = arith.constant 2 : i32
      %mul3A_367 = arith.muli %add3A_346, %mul3A_366 : i32
      %add3A_368 = arith.addi %mul3A_2, %mul3A_367 : i32
      %add3A_369 = arith.constant 1 : i32
      %add3A_370 = arith.addi %add3A_368, %add3A_369 : i32
      %dma_start3A_371 = arith.constant 50 : i32
      %dma_start3A_372 = arith.constant 0 : i32
      %dma_start3A_373 = tpu.memref_slice %arg7[%dma_start3A_371, %dma_start3A_372] : memref<100x128xf32, #tpu.memory_space<vmem>> -> memref<50x128xf32, #tpu.memory_space<vmem>>
      %dma_start3A_374 = arith.constant 0 : i32
      %dma_start3A_375 = arith.constant 0 : i32
      %dma_start3A_376 = tpu.memref_slice %arg4[%add3A_370, %dma_start3A_374, %dma_start3A_375] : memref<4096x50x128xf32, #tpu.memory_space<hbm>> -> memref<1x50x128xf32, #tpu.memory_space<hbm>>
      %dma_start3A_377 = tpu.memref_squeeze %dma_start3A_376 : memref<1x50x128xf32, #tpu.memory_space<hbm>> -> memref<50x128xf32, #tpu.memory_space<hbm>>
      %dma_start3A_378 = arith.constant 0 : i32
      %dma_start3A_379 = arith.constant 0 : i32
      %dma_start3A_380 = tpu.memref_slice %arg4[%add3A_370, %dma_start3A_378, %dma_start3A_379] : memref<4096x50x128xf32, #tpu.memory_space<hbm>> -> memref<1x50x128xf32, #tpu.memory_space<hbm>>
      %dma_start3A_381 = tpu.memref_squeeze %dma_start3A_380 : memref<1x50x128xf32, #tpu.memory_space<hbm>> -> memref<50x128xf32, #tpu.memory_space<hbm>>
      %dma_start3A_382 = arith.constant 50 : i32
      %dma_start3A_383 = arith.constant 0 : i32
      %dma_start3A_384 = tpu.memref_slice %arg7[%dma_start3A_382, %dma_start3A_383] : memref<100x128xf32, #tpu.memory_space<vmem>> -> memref<50x128xf32, #tpu.memory_space<vmem>>
      tpu.enqueue_dma source(%dma_start3A_384 : memref<50x128xf32, #tpu.memory_space<vmem>>) target(%dma_start3A_381 : memref<50x128xf32, #tpu.memory_space<hbm>>) target_semaphore(%arg23 : memref<!tpu.dma_semaphore, #tpu.memory_space<semaphore_mem>>)
      %dma_wait3A_385 = arith.constant 0 : i32
      %dma_wait3A_386 = arith.constant 0 : i32
      %dma_wait3A_387 = tpu.memref_slice %arg5[%dma_wait3A_385, %dma_wait3A_386] : memref<64x100xi32, #tpu.memory_space<vmem>> -> memref<1x100xi32, #tpu.memory_space<vmem>>
      %dma_wait3A_388 = tpu.memref_squeeze %dma_wait3A_387 : memref<1x100xi32, #tpu.memory_space<vmem>> -> memref<100xi32, #tpu.memory_space<vmem>>
      %dma_wait3A_389 = arith.constant 0 : i32
      %dma_wait3A_390 = arith.constant 0 : i32
      %dma_wait3A_391 = tpu.memref_slice %arg3[%dma_wait3A_389, %dma_wait3A_390] : memref<100000x128xf32, #tpu.memory_space<hbm>> -> memref<100000x128xf32, #tpu.memory_space<hbm>>
      tpu.wait_indirect_dma semaphore(%arg16 : memref<!tpu.dma_semaphore, #tpu.memory_space<semaphore_mem>>) src(%dma_wait3A_391 : memref<100000x128xf32, #tpu.memory_space<hbm>>) dst(%arg8 : memref<100x128xf32, #tpu.memory_space<vmem>>)
      %add3A_392 = arith.constant 2 : i32
      %add3A_393 = arith.addi %mul3A_290, %add3A_392 : i32
      %mul3A_394 = arith.constant 2 : i32
      %mul3A_395 = arith.muli %add3A_393, %mul3A_394 : i32
      %add3A_396 = arith.addi %mul3A_2, %mul3A_395 : i32
      %add3A_397 = arith.constant 0 : i32
      %add3A_398 = arith.addi %add3A_396, %add3A_397 : i32
      %dma_start3A_399 = arith.constant 0 : i32
      %dma_start3A_400 = arith.constant 0 : i32
      %dma_start3A_401 = tpu.memref_slice %arg8[%dma_start3A_399, %dma_start3A_400] : memref<100x128xf32, #tpu.memory_space<vmem>> -> memref<50x128xf32, #tpu.memory_space<vmem>>
      %dma_start3A_402 = arith.constant 0 : i32
      %dma_start3A_403 = arith.constant 0 : i32
      %dma_start3A_404 = tpu.memref_slice %arg4[%add3A_398, %dma_start3A_402, %dma_start3A_403] : memref<4096x50x128xf32, #tpu.memory_space<hbm>> -> memref<1x50x128xf32, #tpu.memory_space<hbm>>
      %dma_start3A_405 = tpu.memref_squeeze %dma_start3A_404 : memref<1x50x128xf32, #tpu.memory_space<hbm>> -> memref<50x128xf32, #tpu.memory_space<hbm>>
      %dma_start3A_406 = arith.constant 0 : i32
      %dma_start3A_407 = arith.constant 0 : i32
      %dma_start3A_408 = tpu.memref_slice %arg4[%add3A_398, %dma_start3A_406, %dma_start3A_407] : memref<4096x50x128xf32, #tpu.memory_space<hbm>> -> memref<1x50x128xf32, #tpu.memory_space<hbm>>
      %dma_start3A_409 = tpu.memref_squeeze %dma_start3A_408 : memref<1x50x128xf32, #tpu.memory_space<hbm>> -> memref<50x128xf32, #tpu.memory_space<hbm>>
      %dma_start3A_410 = arith.constant 0 : i32
      %dma_start3A_411 = arith.constant 0 : i32
      %dma_start3A_412 = tpu.memref_slice %arg8[%dma_start3A_410, %dma_start3A_411] : memref<100x128xf32, #tpu.memory_space<vmem>> -> memref<50x128xf32, #tpu.memory_space<vmem>>
      tpu.enqueue_dma source(%dma_start3A_412 : memref<50x128xf32, #tpu.memory_space<vmem>>) target(%dma_start3A_409 : memref<50x128xf32, #tpu.memory_space<hbm>>) target_semaphore(%arg24 : memref<!tpu.dma_semaphore, #tpu.memory_space<semaphore_mem>>)
      %mul3A_413 = arith.constant 2 : i32
      %mul3A_414 = arith.muli %add3A_393, %mul3A_413 : i32
      %add3A_415 = arith.addi %mul3A_2, %mul3A_414 : i32
      %add3A_416 = arith.constant 1 : i32
      %add3A_417 = arith.addi %add3A_415, %add3A_416 : i32
      %dma_start3A_418 = arith.constant 50 : i32
      %dma_start3A_419 = arith.constant 0 : i32
      %dma_start3A_420 = tpu.memref_slice %arg8[%dma_start3A_418, %dma_start3A_419] : memref<100x128xf32, #tpu.memory_space<vmem>> -> memref<50x128xf32, #tpu.memory_space<vmem>>
      %dma_start3A_421 = arith.constant 0 : i32
      %dma_start3A_422 = arith.constant 0 : i32
      %dma_start3A_423 = tpu.memref_slice %arg4[%add3A_417, %dma_start3A_421, %dma_start3A_422] : memref<4096x50x128xf32, #tpu.memory_space<hbm>> -> memref<1x50x128xf32, #tpu.memory_space<hbm>>
      %dma_start3A_424 = tpu.memref_squeeze %dma_start3A_423 : memref<1x50x128xf32, #tpu.memory_space<hbm>> -> memref<50x128xf32, #tpu.memory_space<hbm>>
      %dma_start3A_425 = arith.constant 0 : i32
      %dma_start3A_426 = arith.constant 0 : i32
      %dma_start3A_427 = tpu.memref_slice %arg4[%add3A_417, %dma_start3A_425, %dma_start3A_426] : memref<4096x50x128xf32, #tpu.memory_space<hbm>> -> memref<1x50x128xf32, #tpu.memory_space<hbm>>
      %dma_start3A_428 = tpu.memref_squeeze %dma_start3A_427 : memref<1x50x128xf32, #tpu.memory_space<hbm>> -> memref<50x128xf32, #tpu.memory_space<hbm>>
      %dma_start3A_429 = arith.constant 50 : i32
      %dma_start3A_430 = arith.constant 0 : i32
      %dma_start3A_431 = tpu.memref_slice %arg8[%dma_start3A_429, %dma_start3A_430] : memref<100x128xf32, #tpu.memory_space<vmem>> -> memref<50x128xf32, #tpu.memory_space<vmem>>
      tpu.enqueue_dma source(%dma_start3A_431 : memref<50x128xf32, #tpu.memory_space<vmem>>) target(%dma_start3A_428 : memref<50x128xf32, #tpu.memory_space<hbm>>) target_semaphore(%arg24 : memref<!tpu.dma_semaphore, #tpu.memory_space<semaphore_mem>>)
      %dma_wait3A_432 = arith.constant 0 : i32
      %dma_wait3A_433 = arith.constant 0 : i32
      %dma_wait3A_434 = tpu.memref_slice %arg5[%dma_wait3A_432, %dma_wait3A_433] : memref<64x100xi32, #tpu.memory_space<vmem>> -> memref<1x100xi32, #tpu.memory_space<vmem>>
      %dma_wait3A_435 = tpu.memref_squeeze %dma_wait3A_434 : memref<1x100xi32, #tpu.memory_space<vmem>> -> memref<100xi32, #tpu.memory_space<vmem>>
      %dma_wait3A_436 = arith.constant 0 : i32
      %dma_wait3A_437 = arith.constant 0 : i32
      %dma_wait3A_438 = tpu.memref_slice %arg3[%dma_wait3A_436, %dma_wait3A_437] : memref<100000x128xf32, #tpu.memory_space<hbm>> -> memref<100000x128xf32, #tpu.memory_space<hbm>>
      tpu.wait_indirect_dma semaphore(%arg17 : memref<!tpu.dma_semaphore, #tpu.memory_space<semaphore_mem>>) src(%dma_wait3A_438 : memref<100000x128xf32, #tpu.memory_space<hbm>>) dst(%arg9 : memref<100x128xf32, #tpu.memory_space<vmem>>)
      %add3A_439 = arith.constant 3 : i32
      %add3A_440 = arith.addi %mul3A_290, %add3A_439 : i32
      %mul3A_441 = arith.constant 2 : i32
      %mul3A_442 = arith.muli %add3A_440, %mul3A_441 : i32
      %add3A_443 = arith.addi %mul3A_2, %mul3A_442 : i32
      %add3A_444 = arith.constant 0 : i32
      %add3A_445 = arith.addi %add3A_443, %add3A_444 : i32
      %dma_start3A_446 = arith.constant 0 : i32
      %dma_start3A_447 = arith.constant 0 : i32
      %dma_start3A_448 = tpu.memref_slice %arg9[%dma_start3A_446, %dma_start3A_447] : memref<100x128xf32, #tpu.memory_space<vmem>> -> memref<50x128xf32, #tpu.memory_space<vmem>>
      %dma_start3A_449 = arith.constant 0 : i32
      %dma_start3A_450 = arith.constant 0 : i32
      %dma_start3A_451 = tpu.memref_slice %arg4[%add3A_445, %dma_start3A_449, %dma_start3A_450] : memref<4096x50x128xf32, #tpu.memory_space<hbm>> -> memref<1x50x128xf32, #tpu.memory_space<hbm>>
      %dma_start3A_452 = tpu.memref_squeeze %dma_start3A_451 : memref<1x50x128xf32, #tpu.memory_space<hbm>> -> memref<50x128xf32, #tpu.memory_space<hbm>>
      %dma_start3A_453 = arith.constant 0 : i32
      %dma_start3A_454 = arith.constant 0 : i32
      %dma_start3A_455 = tpu.memref_slice %arg4[%add3A_445, %dma_start3A_453, %dma_start3A_454] : memref<4096x50x128xf32, #tpu.memory_space<hbm>> -> memref<1x50x128xf32, #tpu.memory_space<hbm>>
      %dma_start3A_456 = tpu.memref_squeeze %dma_start3A_455 : memref<1x50x128xf32, #tpu.memory_space<hbm>> -> memref<50x128xf32, #tpu.memory_space<hbm>>
      %dma_start3A_457 = arith.constant 0 : i32
      %dma_start3A_458 = arith.constant 0 : i32
      %dma_start3A_459 = tpu.memref_slice %arg9[%dma_start3A_457, %dma_start3A_458] : memref<100x128xf32, #tpu.memory_space<vmem>> -> memref<50x128xf32, #tpu.memory_space<vmem>>
      tpu.enqueue_dma source(%dma_start3A_459 : memref<50x128xf32, #tpu.memory_space<vmem>>) target(%dma_start3A_456 : memref<50x128xf32, #tpu.memory_space<hbm>>) target_semaphore(%arg25 : memref<!tpu.dma_semaphore, #tpu.memory_space<semaphore_mem>>)
      %mul3A_460 = arith.constant 2 : i32
      %mul3A_461 = arith.muli %add3A_440, %mul3A_460 : i32
      %add3A_462 = arith.addi %mul3A_2, %mul3A_461 : i32
      %add3A_463 = arith.constant 1 : i32
      %add3A_464 = arith.addi %add3A_462, %add3A_463 : i32
      %dma_start3A_465 = arith.constant 50 : i32
      %dma_start3A_466 = arith.constant 0 : i32
      %dma_start3A_467 = tpu.memref_slice %arg9[%dma_start3A_465, %dma_start3A_466] : memref<100x128xf32, #tpu.memory_space<vmem>> -> memref<50x128xf32, #tpu.memory_space<vmem>>
      %dma_start3A_468 = arith.constant 0 : i32
      %dma_start3A_469 = arith.constant 0 : i32
      %dma_start3A_470 = tpu.memref_slice %arg4[%add3A_464, %dma_start3A_468, %dma_start3A_469] : memref<4096x50x128xf32, #tpu.memory_space<hbm>> -> memref<1x50x128xf32, #tpu.memory_space<hbm>>
      %dma_start3A_471 = tpu.memref_squeeze %dma_start3A_470 : memref<1x50x128xf32, #tpu.memory_space<hbm>> -> memref<50x128xf32, #tpu.memory_space<hbm>>
      %dma_start3A_472 = arith.constant 0 : i32
      %dma_start3A_473 = arith.constant 0 : i32
      %dma_start3A_474 = tpu.memref_slice %arg4[%add3A_464, %dma_start3A_472, %dma_start3A_473] : memref<4096x50x128xf32, #tpu.memory_space<hbm>> -> memref<1x50x128xf32, #tpu.memory_space<hbm>>
      %dma_start3A_475 = tpu.memref_squeeze %dma_start3A_474 : memref<1x50x128xf32, #tpu.memory_space<hbm>> -> memref<50x128xf32, #tpu.memory_space<hbm>>
      %dma_start3A_476 = arith.constant 50 : i32
      %dma_start3A_477 = arith.constant 0 : i32
      %dma_start3A_478 = tpu.memref_slice %arg9[%dma_start3A_476, %dma_start3A_477] : memref<100x128xf32, #tpu.memory_space<vmem>> -> memref<50x128xf32, #tpu.memory_space<vmem>>
      tpu.enqueue_dma source(%dma_start3A_478 : memref<50x128xf32, #tpu.memory_space<vmem>>) target(%dma_start3A_475 : memref<50x128xf32, #tpu.memory_space<hbm>>) target_semaphore(%arg25 : memref<!tpu.dma_semaphore, #tpu.memory_space<semaphore_mem>>)
      %dma_wait3A_479 = arith.constant 0 : i32
      %dma_wait3A_480 = arith.constant 0 : i32
      %dma_wait3A_481 = tpu.memref_slice %arg5[%dma_wait3A_479, %dma_wait3A_480] : memref<64x100xi32, #tpu.memory_space<vmem>> -> memref<1x100xi32, #tpu.memory_space<vmem>>
      %dma_wait3A_482 = tpu.memref_squeeze %dma_wait3A_481 : memref<1x100xi32, #tpu.memory_space<vmem>> -> memref<100xi32, #tpu.memory_space<vmem>>
      %dma_wait3A_483 = arith.constant 0 : i32
      %dma_wait3A_484 = arith.constant 0 : i32
      %dma_wait3A_485 = tpu.memref_slice %arg3[%dma_wait3A_483, %dma_wait3A_484] : memref<100000x128xf32, #tpu.memory_space<hbm>> -> memref<100000x128xf32, #tpu.memory_space<hbm>>
      tpu.wait_indirect_dma semaphore(%arg18 : memref<!tpu.dma_semaphore, #tpu.memory_space<semaphore_mem>>) src(%dma_wait3A_485 : memref<100000x128xf32, #tpu.memory_space<hbm>>) dst(%arg10 : memref<100x128xf32, #tpu.memory_space<vmem>>)
      %add3A_486 = arith.constant 4 : i32
      %add3A_487 = arith.addi %mul3A_290, %add3A_486 : i32
      %mul3A_488 = arith.constant 2 : i32
      %mul3A_489 = arith.muli %add3A_487, %mul3A_488 : i32
      %add3A_490 = arith.addi %mul3A_2, %mul3A_489 : i32
      %add3A_491 = arith.constant 0 : i32
      %add3A_492 = arith.addi %add3A_490, %add3A_491 : i32
      %dma_start3A_493 = arith.constant 0 : i32
      %dma_start3A_494 = arith.constant 0 : i32
      %dma_start3A_495 = tpu.memref_slice %arg10[%dma_start3A_493, %dma_start3A_494] : memref<100x128xf32, #tpu.memory_space<vmem>> -> memref<50x128xf32, #tpu.memory_space<vmem>>
      %dma_start3A_496 = arith.constant 0 : i32
      %dma_start3A_497 = arith.constant 0 : i32
      %dma_start3A_498 = tpu.memref_slice %arg4[%add3A_492, %dma_start3A_496, %dma_start3A_497] : memref<4096x50x128xf32, #tpu.memory_space<hbm>> -> memref<1x50x128xf32, #tpu.memory_space<hbm>>
      %dma_start3A_499 = tpu.memref_squeeze %dma_start3A_498 : memref<1x50x128xf32, #tpu.memory_space<hbm>> -> memref<50x128xf32, #tpu.memory_space<hbm>>
      %dma_start3A_500 = arith.constant 0 : i32
      %dma_start3A_501 = arith.constant 0 : i32
      %dma_start3A_502 = tpu.memref_slice %arg4[%add3A_492, %dma_start3A_500, %dma_start3A_501] : memref<4096x50x128xf32, #tpu.memory_space<hbm>> -> memref<1x50x128xf32, #tpu.memory_space<hbm>>
      %dma_start3A_503 = tpu.memref_squeeze %dma_start3A_502 : memref<1x50x128xf32, #tpu.memory_space<hbm>> -> memref<50x128xf32, #tpu.memory_space<hbm>>
      %dma_start3A_504 = arith.constant 0 : i32
      %dma_start3A_505 = arith.constant 0 : i32
      %dma_start3A_506 = tpu.memref_slice %arg10[%dma_start3A_504, %dma_start3A_505] : memref<100x128xf32, #tpu.memory_space<vmem>> -> memref<50x128xf32, #tpu.memory_space<vmem>>
      tpu.enqueue_dma source(%dma_start3A_506 : memref<50x128xf32, #tpu.memory_space<vmem>>) target(%dma_start3A_503 : memref<50x128xf32, #tpu.memory_space<hbm>>) target_semaphore(%arg26 : memref<!tpu.dma_semaphore, #tpu.memory_space<semaphore_mem>>)
      %mul3A_507 = arith.constant 2 : i32
      %mul3A_508 = arith.muli %add3A_487, %mul3A_507 : i32
      %add3A_509 = arith.addi %mul3A_2, %mul3A_508 : i32
      %add3A_510 = arith.constant 1 : i32
      %add3A_511 = arith.addi %add3A_509, %add3A_510 : i32
      %dma_start3A_512 = arith.constant 50 : i32
      %dma_start3A_513 = arith.constant 0 : i32
      %dma_start3A_514 = tpu.memref_slice %arg10[%dma_start3A_512, %dma_start3A_513] : memref<100x128xf32, #tpu.memory_space<vmem>> -> memref<50x128xf32, #tpu.memory_space<vmem>>
      %dma_start3A_515 = arith.constant 0 : i32
      %dma_start3A_516 = arith.constant 0 : i32
      %dma_start3A_517 = tpu.memref_slice %arg4[%add3A_511, %dma_start3A_515, %dma_start3A_516] : memref<4096x50x128xf32, #tpu.memory_space<hbm>> -> memref<1x50x128xf32, #tpu.memory_space<hbm>>
      %dma_start3A_518 = tpu.memref_squeeze %dma_start3A_517 : memref<1x50x128xf32, #tpu.memory_space<hbm>> -> memref<50x128xf32, #tpu.memory_space<hbm>>
      %dma_start3A_519 = arith.constant 0 : i32
      %dma_start3A_520 = arith.constant 0 : i32
      %dma_start3A_521 = tpu.memref_slice %arg4[%add3A_511, %dma_start3A_519, %dma_start3A_520] : memref<4096x50x128xf32, #tpu.memory_space<hbm>> -> memref<1x50x128xf32, #tpu.memory_space<hbm>>
      %dma_start3A_522 = tpu.memref_squeeze %dma_start3A_521 : memref<1x50x128xf32, #tpu.memory_space<hbm>> -> memref<50x128xf32, #tpu.memory_space<hbm>>
      %dma_start3A_523 = arith.constant 50 : i32
      %dma_start3A_524 = arith.constant 0 : i32
      %dma_start3A_525 = tpu.memref_slice %arg10[%dma_start3A_523, %dma_start3A_524] : memref<100x128xf32, #tpu.memory_space<vmem>> -> memref<50x128xf32, #tpu.memory_space<vmem>>
      tpu.enqueue_dma source(%dma_start3A_525 : memref<50x128xf32, #tpu.memory_space<vmem>>) target(%dma_start3A_522 : memref<50x128xf32, #tpu.memory_space<hbm>>) target_semaphore(%arg26 : memref<!tpu.dma_semaphore, #tpu.memory_space<semaphore_mem>>)
      %dma_wait3A_526 = arith.constant 0 : i32
      %dma_wait3A_527 = arith.constant 0 : i32
      %dma_wait3A_528 = tpu.memref_slice %arg5[%dma_wait3A_526, %dma_wait3A_527] : memref<64x100xi32, #tpu.memory_space<vmem>> -> memref<1x100xi32, #tpu.memory_space<vmem>>
      %dma_wait3A_529 = tpu.memref_squeeze %dma_wait3A_528 : memref<1x100xi32, #tpu.memory_space<vmem>> -> memref<100xi32, #tpu.memory_space<vmem>>
      %dma_wait3A_530 = arith.constant 0 : i32
      %dma_wait3A_531 = arith.constant 0 : i32
      %dma_wait3A_532 = tpu.memref_slice %arg3[%dma_wait3A_530, %dma_wait3A_531] : memref<100000x128xf32, #tpu.memory_space<hbm>> -> memref<100000x128xf32, #tpu.memory_space<hbm>>
      tpu.wait_indirect_dma semaphore(%arg19 : memref<!tpu.dma_semaphore, #tpu.memory_space<semaphore_mem>>) src(%dma_wait3A_532 : memref<100000x128xf32, #tpu.memory_space<hbm>>) dst(%arg11 : memref<100x128xf32, #tpu.memory_space<vmem>>)
      %add3A_533 = arith.constant 5 : i32
      %add3A_534 = arith.addi %mul3A_290, %add3A_533 : i32
      %mul3A_535 = arith.constant 2 : i32
      %mul3A_536 = arith.muli %add3A_534, %mul3A_535 : i32
      %add3A_537 = arith.addi %mul3A_2, %mul3A_536 : i32
      %add3A_538 = arith.constant 0 : i32
      %add3A_539 = arith.addi %add3A_537, %add3A_538 : i32
      %dma_start3A_540 = arith.constant 0 : i32
      %dma_start3A_541 = arith.constant 0 : i32
      %dma_start3A_542 = tpu.memref_slice %arg11[%dma_start3A_540, %dma_start3A_541] : memref<100x128xf32, #tpu.memory_space<vmem>> -> memref<50x128xf32, #tpu.memory_space<vmem>>
      %dma_start3A_543 = arith.constant 0 : i32
      %dma_start3A_544 = arith.constant 0 : i32
      %dma_start3A_545 = tpu.memref_slice %arg4[%add3A_539, %dma_start3A_543, %dma_start3A_544] : memref<4096x50x128xf32, #tpu.memory_space<hbm>> -> memref<1x50x128xf32, #tpu.memory_space<hbm>>
      %dma_start3A_546 = tpu.memref_squeeze %dma_start3A_545 : memref<1x50x128xf32, #tpu.memory_space<hbm>> -> memref<50x128xf32, #tpu.memory_space<hbm>>
      %dma_start3A_547 = arith.constant 0 : i32
      %dma_start3A_548 = arith.constant 0 : i32
      %dma_start3A_549 = tpu.memref_slice %arg4[%add3A_539, %dma_start3A_547, %dma_start3A_548] : memref<4096x50x128xf32, #tpu.memory_space<hbm>> -> memref<1x50x128xf32, #tpu.memory_space<hbm>>
      %dma_start3A_550 = tpu.memref_squeeze %dma_start3A_549 : memref<1x50x128xf32, #tpu.memory_space<hbm>> -> memref<50x128xf32, #tpu.memory_space<hbm>>
      %dma_start3A_551 = arith.constant 0 : i32
      %dma_start3A_552 = arith.constant 0 : i32
      %dma_start3A_553 = tpu.memref_slice %arg11[%dma_start3A_551, %dma_start3A_552] : memref<100x128xf32, #tpu.memory_space<vmem>> -> memref<50x128xf32, #tpu.memory_space<vmem>>
      tpu.enqueue_dma source(%dma_start3A_553 : memref<50x128xf32, #tpu.memory_space<vmem>>) target(%dma_start3A_550 : memref<50x128xf32, #tpu.memory_space<hbm>>) target_semaphore(%arg27 : memref<!tpu.dma_semaphore, #tpu.memory_space<semaphore_mem>>)
      %mul3A_554 = arith.constant 2 : i32
      %mul3A_555 = arith.muli %add3A_534, %mul3A_554 : i32
      %add3A_556 = arith.addi %mul3A_2, %mul3A_555 : i32
      %add3A_557 = arith.constant 1 : i32
      %add3A_558 = arith.addi %add3A_556, %add3A_557 : i32
      %dma_start3A_559 = arith.constant 50 : i32
      %dma_start3A_560 = arith.constant 0 : i32
      %dma_start3A_561 = tpu.memref_slice %arg11[%dma_start3A_559, %dma_start3A_560] : memref<100x128xf32, #tpu.memory_space<vmem>> -> memref<50x128xf32, #tpu.memory_space<vmem>>
      %dma_start3A_562 = arith.constant 0 : i32
      %dma_start3A_563 = arith.constant 0 : i32
      %dma_start3A_564 = tpu.memref_slice %arg4[%add3A_558, %dma_start3A_562, %dma_start3A_563] : memref<4096x50x128xf32, #tpu.memory_space<hbm>> -> memref<1x50x128xf32, #tpu.memory_space<hbm>>
      %dma_start3A_565 = tpu.memref_squeeze %dma_start3A_564 : memref<1x50x128xf32, #tpu.memory_space<hbm>> -> memref<50x128xf32, #tpu.memory_space<hbm>>
      %dma_start3A_566 = arith.constant 0 : i32
      %dma_start3A_567 = arith.constant 0 : i32
      %dma_start3A_568 = tpu.memref_slice %arg4[%add3A_558, %dma_start3A_566, %dma_start3A_567] : memref<4096x50x128xf32, #tpu.memory_space<hbm>> -> memref<1x50x128xf32, #tpu.memory_space<hbm>>
      %dma_start3A_569 = tpu.memref_squeeze %dma_start3A_568 : memref<1x50x128xf32, #tpu.memory_space<hbm>> -> memref<50x128xf32, #tpu.memory_space<hbm>>
      %dma_start3A_570 = arith.constant 50 : i32
      %dma_start3A_571 = arith.constant 0 : i32
      %dma_start3A_572 = tpu.memref_slice %arg11[%dma_start3A_570, %dma_start3A_571] : memref<100x128xf32, #tpu.memory_space<vmem>> -> memref<50x128xf32, #tpu.memory_space<vmem>>
      tpu.enqueue_dma source(%dma_start3A_572 : memref<50x128xf32, #tpu.memory_space<vmem>>) target(%dma_start3A_569 : memref<50x128xf32, #tpu.memory_space<hbm>>) target_semaphore(%arg27 : memref<!tpu.dma_semaphore, #tpu.memory_space<semaphore_mem>>)
      %dma_wait3A_573 = arith.constant 0 : i32
      %dma_wait3A_574 = arith.constant 0 : i32
      %dma_wait3A_575 = tpu.memref_slice %arg5[%dma_wait3A_573, %dma_wait3A_574] : memref<64x100xi32, #tpu.memory_space<vmem>> -> memref<1x100xi32, #tpu.memory_space<vmem>>
      %dma_wait3A_576 = tpu.memref_squeeze %dma_wait3A_575 : memref<1x100xi32, #tpu.memory_space<vmem>> -> memref<100xi32, #tpu.memory_space<vmem>>
      %dma_wait3A_577 = arith.constant 0 : i32
      %dma_wait3A_578 = arith.constant 0 : i32
      %dma_wait3A_579 = tpu.memref_slice %arg3[%dma_wait3A_577, %dma_wait3A_578] : memref<100000x128xf32, #tpu.memory_space<hbm>> -> memref<100000x128xf32, #tpu.memory_space<hbm>>
      tpu.wait_indirect_dma semaphore(%arg20 : memref<!tpu.dma_semaphore, #tpu.memory_space<semaphore_mem>>) src(%dma_wait3A_579 : memref<100000x128xf32, #tpu.memory_space<hbm>>) dst(%arg12 : memref<100x128xf32, #tpu.memory_space<vmem>>)
      %add3A_580 = arith.constant 6 : i32
      %add3A_581 = arith.addi %mul3A_290, %add3A_580 : i32
      %mul3A_582 = arith.constant 2 : i32
      %mul3A_583 = arith.muli %add3A_581, %mul3A_582 : i32
      %add3A_584 = arith.addi %mul3A_2, %mul3A_583 : i32
      %add3A_585 = arith.constant 0 : i32
      %add3A_586 = arith.addi %add3A_584, %add3A_585 : i32
      %dma_start3A_587 = arith.constant 0 : i32
      %dma_start3A_588 = arith.constant 0 : i32
      %dma_start3A_589 = tpu.memref_slice %arg12[%dma_start3A_587, %dma_start3A_588] : memref<100x128xf32, #tpu.memory_space<vmem>> -> memref<50x128xf32, #tpu.memory_space<vmem>>
      %dma_start3A_590 = arith.constant 0 : i32
      %dma_start3A_591 = arith.constant 0 : i32
      %dma_start3A_592 = tpu.memref_slice %arg4[%add3A_586, %dma_start3A_590, %dma_start3A_591] : memref<4096x50x128xf32, #tpu.memory_space<hbm>> -> memref<1x50x128xf32, #tpu.memory_space<hbm>>
      %dma_start3A_593 = tpu.memref_squeeze %dma_start3A_592 : memref<1x50x128xf32, #tpu.memory_space<hbm>> -> memref<50x128xf32, #tpu.memory_space<hbm>>
      %dma_start3A_594 = arith.constant 0 : i32
      %dma_start3A_595 = arith.constant 0 : i32
      %dma_start3A_596 = tpu.memref_slice %arg4[%add3A_586, %dma_start3A_594, %dma_start3A_595] : memref<4096x50x128xf32, #tpu.memory_space<hbm>> -> memref<1x50x128xf32, #tpu.memory_space<hbm>>
      %dma_start3A_597 = tpu.memref_squeeze %dma_start3A_596 : memref<1x50x128xf32, #tpu.memory_space<hbm>> -> memref<50x128xf32, #tpu.memory_space<hbm>>
      %dma_start3A_598 = arith.constant 0 : i32
      %dma_start3A_599 = arith.constant 0 : i32
      %dma_start3A_600 = tpu.memref_slice %arg12[%dma_start3A_598, %dma_start3A_599] : memref<100x128xf32, #tpu.memory_space<vmem>> -> memref<50x128xf32, #tpu.memory_space<vmem>>
      tpu.enqueue_dma source(%dma_start3A_600 : memref<50x128xf32, #tpu.memory_space<vmem>>) target(%dma_start3A_597 : memref<50x128xf32, #tpu.memory_space<hbm>>) target_semaphore(%arg28 : memref<!tpu.dma_semaphore, #tpu.memory_space<semaphore_mem>>)
      %mul3A_601 = arith.constant 2 : i32
      %mul3A_602 = arith.muli %add3A_581, %mul3A_601 : i32
      %add3A_603 = arith.addi %mul3A_2, %mul3A_602 : i32
      %add3A_604 = arith.constant 1 : i32
      %add3A_605 = arith.addi %add3A_603, %add3A_604 : i32
      %dma_start3A_606 = arith.constant 50 : i32
      %dma_start3A_607 = arith.constant 0 : i32
      %dma_start3A_608 = tpu.memref_slice %arg12[%dma_start3A_606, %dma_start3A_607] : memref<100x128xf32, #tpu.memory_space<vmem>> -> memref<50x128xf32, #tpu.memory_space<vmem>>
      %dma_start3A_609 = arith.constant 0 : i32
      %dma_start3A_610 = arith.constant 0 : i32
      %dma_start3A_611 = tpu.memref_slice %arg4[%add3A_605, %dma_start3A_609, %dma_start3A_610] : memref<4096x50x128xf32, #tpu.memory_space<hbm>> -> memref<1x50x128xf32, #tpu.memory_space<hbm>>
      %dma_start3A_612 = tpu.memref_squeeze %dma_start3A_611 : memref<1x50x128xf32, #tpu.memory_space<hbm>> -> memref<50x128xf32, #tpu.memory_space<hbm>>
      %dma_start3A_613 = arith.constant 0 : i32
      %dma_start3A_614 = arith.constant 0 : i32
      %dma_start3A_615 = tpu.memref_slice %arg4[%add3A_605, %dma_start3A_613, %dma_start3A_614] : memref<4096x50x128xf32, #tpu.memory_space<hbm>> -> memref<1x50x128xf32, #tpu.memory_space<hbm>>
      %dma_start3A_616 = tpu.memref_squeeze %dma_start3A_615 : memref<1x50x128xf32, #tpu.memory_space<hbm>> -> memref<50x128xf32, #tpu.memory_space<hbm>>
      %dma_start3A_617 = arith.constant 50 : i32
      %dma_start3A_618 = arith.constant 0 : i32
      %dma_start3A_619 = tpu.memref_slice %arg12[%dma_start3A_617, %dma_start3A_618] : memref<100x128xf32, #tpu.memory_space<vmem>> -> memref<50x128xf32, #tpu.memory_space<vmem>>
      tpu.enqueue_dma source(%dma_start3A_619 : memref<50x128xf32, #tpu.memory_space<vmem>>) target(%dma_start3A_616 : memref<50x128xf32, #tpu.memory_space<hbm>>) target_semaphore(%arg28 : memref<!tpu.dma_semaphore, #tpu.memory_space<semaphore_mem>>)
      %dma_wait3A_620 = arith.constant 0 : i32
      %dma_wait3A_621 = arith.constant 0 : i32
      %dma_wait3A_622 = tpu.memref_slice %arg5[%dma_wait3A_620, %dma_wait3A_621] : memref<64x100xi32, #tpu.memory_space<vmem>> -> memref<1x100xi32, #tpu.memory_space<vmem>>
      %dma_wait3A_623 = tpu.memref_squeeze %dma_wait3A_622 : memref<1x100xi32, #tpu.memory_space<vmem>> -> memref<100xi32, #tpu.memory_space<vmem>>
      %dma_wait3A_624 = arith.constant 0 : i32
      %dma_wait3A_625 = arith.constant 0 : i32
      %dma_wait3A_626 = tpu.memref_slice %arg3[%dma_wait3A_624, %dma_wait3A_625] : memref<100000x128xf32, #tpu.memory_space<hbm>> -> memref<100000x128xf32, #tpu.memory_space<hbm>>
      tpu.wait_indirect_dma semaphore(%arg21 : memref<!tpu.dma_semaphore, #tpu.memory_space<semaphore_mem>>) src(%dma_wait3A_626 : memref<100000x128xf32, #tpu.memory_space<hbm>>) dst(%arg13 : memref<100x128xf32, #tpu.memory_space<vmem>>)
      %add3A_627 = arith.constant 7 : i32
      %add3A_628 = arith.addi %mul3A_290, %add3A_627 : i32
      %mul3A_629 = arith.constant 2 : i32
      %mul3A_630 = arith.muli %add3A_628, %mul3A_629 : i32
      %add3A_631 = arith.addi %mul3A_2, %mul3A_630 : i32
      %add3A_632 = arith.constant 0 : i32
      %add3A_633 = arith.addi %add3A_631, %add3A_632 : i32
      %dma_start3A_634 = arith.constant 0 : i32
      %dma_start3A_635 = arith.constant 0 : i32
      %dma_start3A_636 = tpu.memref_slice %arg13[%dma_start3A_634, %dma_start3A_635] : memref<100x128xf32, #tpu.memory_space<vmem>> -> memref<50x128xf32, #tpu.memory_space<vmem>>
      %dma_start3A_637 = arith.constant 0 : i32
      %dma_start3A_638 = arith.constant 0 : i32
      %dma_start3A_639 = tpu.memref_slice %arg4[%add3A_633, %dma_start3A_637, %dma_start3A_638] : memref<4096x50x128xf32, #tpu.memory_space<hbm>> -> memref<1x50x128xf32, #tpu.memory_space<hbm>>
      %dma_start3A_640 = tpu.memref_squeeze %dma_start3A_639 : memref<1x50x128xf32, #tpu.memory_space<hbm>> -> memref<50x128xf32, #tpu.memory_space<hbm>>
      %dma_start3A_641 = arith.constant 0 : i32
      %dma_start3A_642 = arith.constant 0 : i32
      %dma_start3A_643 = tpu.memref_slice %arg4[%add3A_633, %dma_start3A_641, %dma_start3A_642] : memref<4096x50x128xf32, #tpu.memory_space<hbm>> -> memref<1x50x128xf32, #tpu.memory_space<hbm>>
      %dma_start3A_644 = tpu.memref_squeeze %dma_start3A_643 : memref<1x50x128xf32, #tpu.memory_space<hbm>> -> memref<50x128xf32, #tpu.memory_space<hbm>>
      %dma_start3A_645 = arith.constant 0 : i32
      %dma_start3A_646 = arith.constant 0 : i32
      %dma_start3A_647 = tpu.memref_slice %arg13[%dma_start3A_645, %dma_start3A_646] : memref<100x128xf32, #tpu.memory_space<vmem>> -> memref<50x128xf32, #tpu.memory_space<vmem>>
      tpu.enqueue_dma source(%dma_start3A_647 : memref<50x128xf32, #tpu.memory_space<vmem>>) target(%dma_start3A_644 : memref<50x128xf32, #tpu.memory_space<hbm>>) target_semaphore(%arg29 : memref<!tpu.dma_semaphore, #tpu.memory_space<semaphore_mem>>)
      %mul3A_648 = arith.constant 2 : i32
      %mul3A_649 = arith.muli %add3A_628, %mul3A_648 : i32
      %add3A_650 = arith.addi %mul3A_2, %mul3A_649 : i32
      %add3A_651 = arith.constant 1 : i32
      %add3A_652 = arith.addi %add3A_650, %add3A_651 : i32
      %dma_start3A_653 = arith.constant 50 : i32
      %dma_start3A_654 = arith.constant 0 : i32
      %dma_start3A_655 = tpu.memref_slice %arg13[%dma_start3A_653, %dma_start3A_654] : memref<100x128xf32, #tpu.memory_space<vmem>> -> memref<50x128xf32, #tpu.memory_space<vmem>>
      %dma_start3A_656 = arith.constant 0 : i32
      %dma_start3A_657 = arith.constant 0 : i32
      %dma_start3A_658 = tpu.memref_slice %arg4[%add3A_652, %dma_start3A_656, %dma_start3A_657] : memref<4096x50x128xf32, #tpu.memory_space<hbm>> -> memref<1x50x128xf32, #tpu.memory_space<hbm>>
      %dma_start3A_659 = tpu.memref_squeeze %dma_start3A_658 : memref<1x50x128xf32, #tpu.memory_space<hbm>> -> memref<50x128xf32, #tpu.memory_space<hbm>>
      %dma_start3A_660 = arith.constant 0 : i32
      %dma_start3A_661 = arith.constant 0 : i32
      %dma_start3A_662 = tpu.memref_slice %arg4[%add3A_652, %dma_start3A_660, %dma_start3A_661] : memref<4096x50x128xf32, #tpu.memory_space<hbm>> -> memref<1x50x128xf32, #tpu.memory_space<hbm>>
      %dma_start3A_663 = tpu.memref_squeeze %dma_start3A_662 : memref<1x50x128xf32, #tpu.memory_space<hbm>> -> memref<50x128xf32, #tpu.memory_space<hbm>>
      %dma_start3A_664 = arith.constant 50 : i32
      %dma_start3A_665 = arith.constant 0 : i32
      %dma_start3A_666 = tpu.memref_slice %arg13[%dma_start3A_664, %dma_start3A_665] : memref<100x128xf32, #tpu.memory_space<vmem>> -> memref<50x128xf32, #tpu.memory_space<vmem>>
      tpu.enqueue_dma source(%dma_start3A_666 : memref<50x128xf32, #tpu.memory_space<vmem>>) target(%dma_start3A_663 : memref<50x128xf32, #tpu.memory_space<hbm>>) target_semaphore(%arg29 : memref<!tpu.dma_semaphore, #tpu.memory_space<semaphore_mem>>)
      %lt3A = arith.constant 7 : i32
      %lt3A_667 = arith.cmpi slt, %scan3A_288, %lt3A : i32
      %convert_element_type3A = arith.extui %lt3A_667 : i1 to i32
      %cond3A = arith.constant 0 : i32
      %cond3A_668 = arith.cmpi ne, %convert_element_type3A, %cond3A : i32
      scf.if %cond3A_668 {
        %dma_wait3A_704 = arith.constant 0 : i32
        %dma_wait3A_705 = arith.constant 0 : i32
        %dma_wait3A_706 = tpu.memref_slice %arg6[%dma_wait3A_704, %dma_wait3A_705] : memref<100x128xf32, #tpu.memory_space<vmem>> -> memref<50x128xf32, #tpu.memory_space<vmem>>
        %dma_wait3A_707 = arith.constant 0 : i32
        %dma_wait3A_708 = arith.constant 0 : i32
        %dma_wait3A_709 = tpu.memref_slice %arg4[%mul3A_2, %dma_wait3A_707, %dma_wait3A_708] : memref<4096x50x128xf32, #tpu.memory_space<hbm>> -> memref<1x50x128xf32, #tpu.memory_space<hbm>>
        %dma_wait3A_710 = tpu.memref_squeeze %dma_wait3A_709 : memref<1x50x128xf32, #tpu.memory_space<hbm>> -> memref<50x128xf32, #tpu.memory_space<hbm>>
        %dma_wait3A_711 = arith.constant 0 : i32
        %dma_wait3A_712 = arith.constant 0 : i32
        %dma_wait3A_713 = tpu.memref_slice %arg4[%mul3A_2, %dma_wait3A_711, %dma_wait3A_712] : memref<4096x50x128xf32, #tpu.memory_space<hbm>> -> memref<1x50x128xf32, #tpu.memory_space<hbm>>
        %dma_wait3A_714 = tpu.memref_squeeze %dma_wait3A_713 : memref<1x50x128xf32, #tpu.memory_space<hbm>> -> memref<50x128xf32, #tpu.memory_space<hbm>>
        %dma_wait3A_715 = arith.constant 0 : i32
        %dma_wait3A_716 = arith.constant 0 : i32
        %dma_wait3A_717 = tpu.memref_slice %arg6[%dma_wait3A_715, %dma_wait3A_716] : memref<100x128xf32, #tpu.memory_space<vmem>> -> memref<50x128xf32, #tpu.memory_space<vmem>>
        tpu.wait_dma2 semaphore(%arg22 : memref<!tpu.dma_semaphore, #tpu.memory_space<semaphore_mem>>) src(%dma_wait3A_717 : memref<50x128xf32, #tpu.memory_space<vmem>>) dst(%dma_wait3A_714 : memref<50x128xf32, #tpu.memory_space<hbm>>)
        %dma_wait3A_718 = arith.constant 0 : i32
        %dma_wait3A_719 = arith.constant 0 : i32
        %dma_wait3A_720 = tpu.memref_slice %arg6[%dma_wait3A_718, %dma_wait3A_719] : memref<100x128xf32, #tpu.memory_space<vmem>> -> memref<50x128xf32, #tpu.memory_space<vmem>>
        %dma_wait3A_721 = arith.constant 0 : i32
        %dma_wait3A_722 = arith.constant 0 : i32
        %dma_wait3A_723 = tpu.memref_slice %arg4[%mul3A_2, %dma_wait3A_721, %dma_wait3A_722] : memref<4096x50x128xf32, #tpu.memory_space<hbm>> -> memref<1x50x128xf32, #tpu.memory_space<hbm>>
        %dma_wait3A_724 = tpu.memref_squeeze %dma_wait3A_723 : memref<1x50x128xf32, #tpu.memory_space<hbm>> -> memref<50x128xf32, #tpu.memory_space<hbm>>
        %dma_wait3A_725 = arith.constant 0 : i32
        %dma_wait3A_726 = arith.constant 0 : i32
        %dma_wait3A_727 = tpu.memref_slice %arg4[%mul3A_2, %dma_wait3A_725, %dma_wait3A_726] : memref<4096x50x128xf32, #tpu.memory_space<hbm>> -> memref<1x50x128xf32, #tpu.memory_space<hbm>>
        %dma_wait3A_728 = tpu.memref_squeeze %dma_wait3A_727 : memref<1x50x128xf32, #tpu.memory_space<hbm>> -> memref<50x128xf32, #tpu.memory_space<hbm>>
        %dma_wait3A_729 = arith.constant 0 : i32
        %dma_wait3A_730 = arith.constant 0 : i32
        %dma_wait3A_731 = tpu.memref_slice %arg6[%dma_wait3A_729, %dma_wait3A_730] : memref<100x128xf32, #tpu.memory_space<vmem>> -> memref<50x128xf32, #tpu.memory_space<vmem>>
        tpu.wait_dma2 semaphore(%arg22 : memref<!tpu.dma_semaphore, #tpu.memory_space<semaphore_mem>>) src(%dma_wait3A_731 : memref<50x128xf32, #tpu.memory_space<vmem>>) dst(%dma_wait3A_728 : memref<50x128xf32, #tpu.memory_space<hbm>>)
        %add3A_732 = arith.constant 8 : i32
        %add3A_733 = arith.addi %mul3A_290, %add3A_732 : i32
        %add3A_734 = arith.constant 0 : i32
        %add3A_735 = arith.addi %add3A_733, %add3A_734 : i32
        %dma_start3A_736 = arith.constant 0 : i32
        %dma_start3A_737 = tpu.memref_slice %arg5[%add3A_735, %dma_start3A_736] : memref<64x100xi32, #tpu.memory_space<vmem>> -> memref<1x100xi32, #tpu.memory_space<vmem>>
        %dma_start3A_738 = tpu.memref_squeeze %dma_start3A_737 : memref<1x100xi32, #tpu.memory_space<vmem>> -> memref<100xi32, #tpu.memory_space<vmem>>
        %dma_start3A_739 = arith.constant 0 : i32
        %dma_start3A_740 = arith.constant 0 : i32
        %dma_start3A_741 = tpu.memref_slice %arg3[%dma_start3A_739, %dma_start3A_740] : memref<100000x128xf32, #tpu.memory_space<hbm>> -> memref<100000x128xf32, #tpu.memory_space<hbm>>
        tpu.enqueue_indirect_dma source(%dma_start3A_741 : memref<100000x128xf32, #tpu.memory_space<hbm>>) target(%arg6 : memref<100x128xf32, #tpu.memory_space<vmem>>) offsets(%dma_start3A_738 : memref<100xi32, #tpu.memory_space<vmem>>) semaphore(%arg14 : memref<!tpu.dma_semaphore, #tpu.memory_space<semaphore_mem>>)
      } else {
      }
      %lt3A_669 = arith.constant 7 : i32
      %lt3A_670 = arith.cmpi slt, %scan3A_288, %lt3A_669 : i32
      %convert_element_type3A_671 = arith.extui %lt3A_670 : i1 to i32
      %cond3A_672 = arith.constant 0 : i32
      %cond3A_673 = arith.cmpi ne, %convert_element_type3A_671, %cond3A_672 : i32
      scf.if %cond3A_673 {
        %dma_wait3A_704 = arith.constant 0 : i32
        %dma_wait3A_705 = arith.constant 0 : i32
        %dma_wait3A_706 = tpu.memref_slice %arg7[%dma_wait3A_704, %dma_wait3A_705] : memref<100x128xf32, #tpu.memory_space<vmem>> -> memref<50x128xf32, #tpu.memory_space<vmem>>
        %dma_wait3A_707 = arith.constant 0 : i32
        %dma_wait3A_708 = arith.constant 0 : i32
        %dma_wait3A_709 = tpu.memref_slice %arg4[%mul3A_2, %dma_wait3A_707, %dma_wait3A_708] : memref<4096x50x128xf32, #tpu.memory_space<hbm>> -> memref<1x50x128xf32, #tpu.memory_space<hbm>>
        %dma_wait3A_710 = tpu.memref_squeeze %dma_wait3A_709 : memref<1x50x128xf32, #tpu.memory_space<hbm>> -> memref<50x128xf32, #tpu.memory_space<hbm>>
        %dma_wait3A_711 = arith.constant 0 : i32
        %dma_wait3A_712 = arith.constant 0 : i32
        %dma_wait3A_713 = tpu.memref_slice %arg4[%mul3A_2, %dma_wait3A_711, %dma_wait3A_712] : memref<4096x50x128xf32, #tpu.memory_space<hbm>> -> memref<1x50x128xf32, #tpu.memory_space<hbm>>
        %dma_wait3A_714 = tpu.memref_squeeze %dma_wait3A_713 : memref<1x50x128xf32, #tpu.memory_space<hbm>> -> memref<50x128xf32, #tpu.memory_space<hbm>>
        %dma_wait3A_715 = arith.constant 0 : i32
        %dma_wait3A_716 = arith.constant 0 : i32
        %dma_wait3A_717 = tpu.memref_slice %arg7[%dma_wait3A_715, %dma_wait3A_716] : memref<100x128xf32, #tpu.memory_space<vmem>> -> memref<50x128xf32, #tpu.memory_space<vmem>>
        tpu.wait_dma2 semaphore(%arg23 : memref<!tpu.dma_semaphore, #tpu.memory_space<semaphore_mem>>) src(%dma_wait3A_717 : memref<50x128xf32, #tpu.memory_space<vmem>>) dst(%dma_wait3A_714 : memref<50x128xf32, #tpu.memory_space<hbm>>)
        %dma_wait3A_718 = arith.constant 0 : i32
        %dma_wait3A_719 = arith.constant 0 : i32
        %dma_wait3A_720 = tpu.memref_slice %arg7[%dma_wait3A_718, %dma_wait3A_719] : memref<100x128xf32, #tpu.memory_space<vmem>> -> memref<50x128xf32, #tpu.memory_space<vmem>>
        %dma_wait3A_721 = arith.constant 0 : i32
        %dma_wait3A_722 = arith.constant 0 : i32
        %dma_wait3A_723 = tpu.memref_slice %arg4[%mul3A_2, %dma_wait3A_721, %dma_wait3A_722] : memref<4096x50x128xf32, #tpu.memory_space<hbm>> -> memref<1x50x128xf32, #tpu.memory_space<hbm>>
        %dma_wait3A_724 = tpu.memref_squeeze %dma_wait3A_723 : memref<1x50x128xf32, #tpu.memory_space<hbm>> -> memref<50x128xf32, #tpu.memory_space<hbm>>
        %dma_wait3A_725 = arith.constant 0 : i32
        %dma_wait3A_726 = arith.constant 0 : i32
        %dma_wait3A_727 = tpu.memref_slice %arg4[%mul3A_2, %dma_wait3A_725, %dma_wait3A_726] : memref<4096x50x128xf32, #tpu.memory_space<hbm>> -> memref<1x50x128xf32, #tpu.memory_space<hbm>>
        %dma_wait3A_728 = tpu.memref_squeeze %dma_wait3A_727 : memref<1x50x128xf32, #tpu.memory_space<hbm>> -> memref<50x128xf32, #tpu.memory_space<hbm>>
        %dma_wait3A_729 = arith.constant 0 : i32
        %dma_wait3A_730 = arith.constant 0 : i32
        %dma_wait3A_731 = tpu.memref_slice %arg7[%dma_wait3A_729, %dma_wait3A_730] : memref<100x128xf32, #tpu.memory_space<vmem>> -> memref<50x128xf32, #tpu.memory_space<vmem>>
        tpu.wait_dma2 semaphore(%arg23 : memref<!tpu.dma_semaphore, #tpu.memory_space<semaphore_mem>>) src(%dma_wait3A_731 : memref<50x128xf32, #tpu.memory_space<vmem>>) dst(%dma_wait3A_728 : memref<50x128xf32, #tpu.memory_space<hbm>>)
        %add3A_732 = arith.constant 8 : i32
        %add3A_733 = arith.addi %mul3A_290, %add3A_732 : i32
        %add3A_734 = arith.constant 1 : i32
        %add3A_735 = arith.addi %add3A_733, %add3A_734 : i32
        %dma_start3A_736 = arith.constant 0 : i32
        %dma_start3A_737 = tpu.memref_slice %arg5[%add3A_735, %dma_start3A_736] : memref<64x100xi32, #tpu.memory_space<vmem>> -> memref<1x100xi32, #tpu.memory_space<vmem>>
        %dma_start3A_738 = tpu.memref_squeeze %dma_start3A_737 : memref<1x100xi32, #tpu.memory_space<vmem>> -> memref<100xi32, #tpu.memory_space<vmem>>
        %dma_start3A_739 = arith.constant 0 : i32
        %dma_start3A_740 = arith.constant 0 : i32
        %dma_start3A_741 = tpu.memref_slice %arg3[%dma_start3A_739, %dma_start3A_740] : memref<100000x128xf32, #tpu.memory_space<hbm>> -> memref<100000x128xf32, #tpu.memory_space<hbm>>
        tpu.enqueue_indirect_dma source(%dma_start3A_741 : memref<100000x128xf32, #tpu.memory_space<hbm>>) target(%arg7 : memref<100x128xf32, #tpu.memory_space<vmem>>) offsets(%dma_start3A_738 : memref<100xi32, #tpu.memory_space<vmem>>) semaphore(%arg15 : memref<!tpu.dma_semaphore, #tpu.memory_space<semaphore_mem>>)
      } else {
      }
      %lt3A_674 = arith.constant 7 : i32
      %lt3A_675 = arith.cmpi slt, %scan3A_288, %lt3A_674 : i32
      %convert_element_type3A_676 = arith.extui %lt3A_675 : i1 to i32
      %cond3A_677 = arith.constant 0 : i32
      %cond3A_678 = arith.cmpi ne, %convert_element_type3A_676, %cond3A_677 : i32
      scf.if %cond3A_678 {
        %dma_wait3A_704 = arith.constant 0 : i32
        %dma_wait3A_705 = arith.constant 0 : i32
        %dma_wait3A_706 = tpu.memref_slice %arg8[%dma_wait3A_704, %dma_wait3A_705] : memref<100x128xf32, #tpu.memory_space<vmem>> -> memref<50x128xf32, #tpu.memory_space<vmem>>
        %dma_wait3A_707 = arith.constant 0 : i32
        %dma_wait3A_708 = arith.constant 0 : i32
        %dma_wait3A_709 = tpu.memref_slice %arg4[%mul3A_2, %dma_wait3A_707, %dma_wait3A_708] : memref<4096x50x128xf32, #tpu.memory_space<hbm>> -> memref<1x50x128xf32, #tpu.memory_space<hbm>>
        %dma_wait3A_710 = tpu.memref_squeeze %dma_wait3A_709 : memref<1x50x128xf32, #tpu.memory_space<hbm>> -> memref<50x128xf32, #tpu.memory_space<hbm>>
        %dma_wait3A_711 = arith.constant 0 : i32
        %dma_wait3A_712 = arith.constant 0 : i32
        %dma_wait3A_713 = tpu.memref_slice %arg4[%mul3A_2, %dma_wait3A_711, %dma_wait3A_712] : memref<4096x50x128xf32, #tpu.memory_space<hbm>> -> memref<1x50x128xf32, #tpu.memory_space<hbm>>
        %dma_wait3A_714 = tpu.memref_squeeze %dma_wait3A_713 : memref<1x50x128xf32, #tpu.memory_space<hbm>> -> memref<50x128xf32, #tpu.memory_space<hbm>>
        %dma_wait3A_715 = arith.constant 0 : i32
        %dma_wait3A_716 = arith.constant 0 : i32
        %dma_wait3A_717 = tpu.memref_slice %arg8[%dma_wait3A_715, %dma_wait3A_716] : memref<100x128xf32, #tpu.memory_space<vmem>> -> memref<50x128xf32, #tpu.memory_space<vmem>>
        tpu.wait_dma2 semaphore(%arg24 : memref<!tpu.dma_semaphore, #tpu.memory_space<semaphore_mem>>) src(%dma_wait3A_717 : memref<50x128xf32, #tpu.memory_space<vmem>>) dst(%dma_wait3A_714 : memref<50x128xf32, #tpu.memory_space<hbm>>)
        %dma_wait3A_718 = arith.constant 0 : i32
        %dma_wait3A_719 = arith.constant 0 : i32
        %dma_wait3A_720 = tpu.memref_slice %arg8[%dma_wait3A_718, %dma_wait3A_719] : memref<100x128xf32, #tpu.memory_space<vmem>> -> memref<50x128xf32, #tpu.memory_space<vmem>>
        %dma_wait3A_721 = arith.constant 0 : i32
        %dma_wait3A_722 = arith.constant 0 : i32
        %dma_wait3A_723 = tpu.memref_slice %arg4[%mul3A_2, %dma_wait3A_721, %dma_wait3A_722] : memref<4096x50x128xf32, #tpu.memory_space<hbm>> -> memref<1x50x128xf32, #tpu.memory_space<hbm>>
        %dma_wait3A_724 = tpu.memref_squeeze %dma_wait3A_723 : memref<1x50x128xf32, #tpu.memory_space<hbm>> -> memref<50x128xf32, #tpu.memory_space<hbm>>
        %dma_wait3A_725 = arith.constant 0 : i32
        %dma_wait3A_726 = arith.constant 0 : i32
        %dma_wait3A_727 = tpu.memref_slice %arg4[%mul3A_2, %dma_wait3A_725, %dma_wait3A_726] : memref<4096x50x128xf32, #tpu.memory_space<hbm>> -> memref<1x50x128xf32, #tpu.memory_space<hbm>>
        %dma_wait3A_728 = tpu.memref_squeeze %dma_wait3A_727 : memref<1x50x128xf32, #tpu.memory_space<hbm>> -> memref<50x128xf32, #tpu.memory_space<hbm>>
        %dma_wait3A_729 = arith.constant 0 : i32
        %dma_wait3A_730 = arith.constant 0 : i32
        %dma_wait3A_731 = tpu.memref_slice %arg8[%dma_wait3A_729, %dma_wait3A_730] : memref<100x128xf32, #tpu.memory_space<vmem>> -> memref<50x128xf32, #tpu.memory_space<vmem>>
        tpu.wait_dma2 semaphore(%arg24 : memref<!tpu.dma_semaphore, #tpu.memory_space<semaphore_mem>>) src(%dma_wait3A_731 : memref<50x128xf32, #tpu.memory_space<vmem>>) dst(%dma_wait3A_728 : memref<50x128xf32, #tpu.memory_space<hbm>>)
        %add3A_732 = arith.constant 8 : i32
        %add3A_733 = arith.addi %mul3A_290, %add3A_732 : i32
        %add3A_734 = arith.constant 2 : i32
        %add3A_735 = arith.addi %add3A_733, %add3A_734 : i32
        %dma_start3A_736 = arith.constant 0 : i32
        %dma_start3A_737 = tpu.memref_slice %arg5[%add3A_735, %dma_start3A_736] : memref<64x100xi32, #tpu.memory_space<vmem>> -> memref<1x100xi32, #tpu.memory_space<vmem>>
        %dma_start3A_738 = tpu.memref_squeeze %dma_start3A_737 : memref<1x100xi32, #tpu.memory_space<vmem>> -> memref<100xi32, #tpu.memory_space<vmem>>
        %dma_start3A_739 = arith.constant 0 : i32
        %dma_start3A_740 = arith.constant 0 : i32
        %dma_start3A_741 = tpu.memref_slice %arg3[%dma_start3A_739, %dma_start3A_740] : memref<100000x128xf32, #tpu.memory_space<hbm>> -> memref<100000x128xf32, #tpu.memory_space<hbm>>
        tpu.enqueue_indirect_dma source(%dma_start3A_741 : memref<100000x128xf32, #tpu.memory_space<hbm>>) target(%arg8 : memref<100x128xf32, #tpu.memory_space<vmem>>) offsets(%dma_start3A_738 : memref<100xi32, #tpu.memory_space<vmem>>) semaphore(%arg16 : memref<!tpu.dma_semaphore, #tpu.memory_space<semaphore_mem>>)
      } else {
      }
      %lt3A_679 = arith.constant 7 : i32
      %lt3A_680 = arith.cmpi slt, %scan3A_288, %lt3A_679 : i32
      %convert_element_type3A_681 = arith.extui %lt3A_680 : i1 to i32
      %cond3A_682 = arith.constant 0 : i32
      %cond3A_683 = arith.cmpi ne, %convert_element_type3A_681, %cond3A_682 : i32
      scf.if %cond3A_683 {
        %dma_wait3A_704 = arith.constant 0 : i32
        %dma_wait3A_705 = arith.constant 0 : i32
        %dma_wait3A_706 = tpu.memref_slice %arg9[%dma_wait3A_704, %dma_wait3A_705] : memref<100x128xf32, #tpu.memory_space<vmem>> -> memref<50x128xf32, #tpu.memory_space<vmem>>
        %dma_wait3A_707 = arith.constant 0 : i32
        %dma_wait3A_708 = arith.constant 0 : i32
        %dma_wait3A_709 = tpu.memref_slice %arg4[%mul3A_2, %dma_wait3A_707, %dma_wait3A_708] : memref<4096x50x128xf32, #tpu.memory_space<hbm>> -> memref<1x50x128xf32, #tpu.memory_space<hbm>>
        %dma_wait3A_710 = tpu.memref_squeeze %dma_wait3A_709 : memref<1x50x128xf32, #tpu.memory_space<hbm>> -> memref<50x128xf32, #tpu.memory_space<hbm>>
        %dma_wait3A_711 = arith.constant 0 : i32
        %dma_wait3A_712 = arith.constant 0 : i32
        %dma_wait3A_713 = tpu.memref_slice %arg4[%mul3A_2, %dma_wait3A_711, %dma_wait3A_712] : memref<4096x50x128xf32, #tpu.memory_space<hbm>> -> memref<1x50x128xf32, #tpu.memory_space<hbm>>
        %dma_wait3A_714 = tpu.memref_squeeze %dma_wait3A_713 : memref<1x50x128xf32, #tpu.memory_space<hbm>> -> memref<50x128xf32, #tpu.memory_space<hbm>>
        %dma_wait3A_715 = arith.constant 0 : i32
        %dma_wait3A_716 = arith.constant 0 : i32
        %dma_wait3A_717 = tpu.memref_slice %arg9[%dma_wait3A_715, %dma_wait3A_716] : memref<100x128xf32, #tpu.memory_space<vmem>> -> memref<50x128xf32, #tpu.memory_space<vmem>>
        tpu.wait_dma2 semaphore(%arg25 : memref<!tpu.dma_semaphore, #tpu.memory_space<semaphore_mem>>) src(%dma_wait3A_717 : memref<50x128xf32, #tpu.memory_space<vmem>>) dst(%dma_wait3A_714 : memref<50x128xf32, #tpu.memory_space<hbm>>)
        %dma_wait3A_718 = arith.constant 0 : i32
        %dma_wait3A_719 = arith.constant 0 : i32
        %dma_wait3A_720 = tpu.memref_slice %arg9[%dma_wait3A_718, %dma_wait3A_719] : memref<100x128xf32, #tpu.memory_space<vmem>> -> memref<50x128xf32, #tpu.memory_space<vmem>>
        %dma_wait3A_721 = arith.constant 0 : i32
        %dma_wait3A_722 = arith.constant 0 : i32
        %dma_wait3A_723 = tpu.memref_slice %arg4[%mul3A_2, %dma_wait3A_721, %dma_wait3A_722] : memref<4096x50x128xf32, #tpu.memory_space<hbm>> -> memref<1x50x128xf32, #tpu.memory_space<hbm>>
        %dma_wait3A_724 = tpu.memref_squeeze %dma_wait3A_723 : memref<1x50x128xf32, #tpu.memory_space<hbm>> -> memref<50x128xf32, #tpu.memory_space<hbm>>
        %dma_wait3A_725 = arith.constant 0 : i32
        %dma_wait3A_726 = arith.constant 0 : i32
        %dma_wait3A_727 = tpu.memref_slice %arg4[%mul3A_2, %dma_wait3A_725, %dma_wait3A_726] : memref<4096x50x128xf32, #tpu.memory_space<hbm>> -> memref<1x50x128xf32, #tpu.memory_space<hbm>>
        %dma_wait3A_728 = tpu.memref_squeeze %dma_wait3A_727 : memref<1x50x128xf32, #tpu.memory_space<hbm>> -> memref<50x128xf32, #tpu.memory_space<hbm>>
        %dma_wait3A_729 = arith.constant 0 : i32
        %dma_wait3A_730 = arith.constant 0 : i32
        %dma_wait3A_731 = tpu.memref_slice %arg9[%dma_wait3A_729, %dma_wait3A_730] : memref<100x128xf32, #tpu.memory_space<vmem>> -> memref<50x128xf32, #tpu.memory_space<vmem>>
        tpu.wait_dma2 semaphore(%arg25 : memref<!tpu.dma_semaphore, #tpu.memory_space<semaphore_mem>>) src(%dma_wait3A_731 : memref<50x128xf32, #tpu.memory_space<vmem>>) dst(%dma_wait3A_728 : memref<50x128xf32, #tpu.memory_space<hbm>>)
        %add3A_732 = arith.constant 8 : i32
        %add3A_733 = arith.addi %mul3A_290, %add3A_732 : i32
        %add3A_734 = arith.constant 3 : i32
        %add3A_735 = arith.addi %add3A_733, %add3A_734 : i32
        %dma_start3A_736 = arith.constant 0 : i32
        %dma_start3A_737 = tpu.memref_slice %arg5[%add3A_735, %dma_start3A_736] : memref<64x100xi32, #tpu.memory_space<vmem>> -> memref<1x100xi32, #tpu.memory_space<vmem>>
        %dma_start3A_738 = tpu.memref_squeeze %dma_start3A_737 : memref<1x100xi32, #tpu.memory_space<vmem>> -> memref<100xi32, #tpu.memory_space<vmem>>
        %dma_start3A_739 = arith.constant 0 : i32
        %dma_start3A_740 = arith.constant 0 : i32
        %dma_start3A_741 = tpu.memref_slice %arg3[%dma_start3A_739, %dma_start3A_740] : memref<100000x128xf32, #tpu.memory_space<hbm>> -> memref<100000x128xf32, #tpu.memory_space<hbm>>
        tpu.enqueue_indirect_dma source(%dma_start3A_741 : memref<100000x128xf32, #tpu.memory_space<hbm>>) target(%arg9 : memref<100x128xf32, #tpu.memory_space<vmem>>) offsets(%dma_start3A_738 : memref<100xi32, #tpu.memory_space<vmem>>) semaphore(%arg17 : memref<!tpu.dma_semaphore, #tpu.memory_space<semaphore_mem>>)
      } else {
      }
      %lt3A_684 = arith.constant 7 : i32
      %lt3A_685 = arith.cmpi slt, %scan3A_288, %lt3A_684 : i32
      %convert_element_type3A_686 = arith.extui %lt3A_685 : i1 to i32
      %cond3A_687 = arith.constant 0 : i32
      %cond3A_688 = arith.cmpi ne, %convert_element_type3A_686, %cond3A_687 : i32
      scf.if %cond3A_688 {
        %dma_wait3A_704 = arith.constant 0 : i32
        %dma_wait3A_705 = arith.constant 0 : i32
        %dma_wait3A_706 = tpu.memref_slice %arg10[%dma_wait3A_704, %dma_wait3A_705] : memref<100x128xf32, #tpu.memory_space<vmem>> -> memref<50x128xf32, #tpu.memory_space<vmem>>
        %dma_wait3A_707 = arith.constant 0 : i32
        %dma_wait3A_708 = arith.constant 0 : i32
        %dma_wait3A_709 = tpu.memref_slice %arg4[%mul3A_2, %dma_wait3A_707, %dma_wait3A_708] : memref<4096x50x128xf32, #tpu.memory_space<hbm>> -> memref<1x50x128xf32, #tpu.memory_space<hbm>>
        %dma_wait3A_710 = tpu.memref_squeeze %dma_wait3A_709 : memref<1x50x128xf32, #tpu.memory_space<hbm>> -> memref<50x128xf32, #tpu.memory_space<hbm>>
        %dma_wait3A_711 = arith.constant 0 : i32
        %dma_wait3A_712 = arith.constant 0 : i32
        %dma_wait3A_713 = tpu.memref_slice %arg4[%mul3A_2, %dma_wait3A_711, %dma_wait3A_712] : memref<4096x50x128xf32, #tpu.memory_space<hbm>> -> memref<1x50x128xf32, #tpu.memory_space<hbm>>
        %dma_wait3A_714 = tpu.memref_squeeze %dma_wait3A_713 : memref<1x50x128xf32, #tpu.memory_space<hbm>> -> memref<50x128xf32, #tpu.memory_space<hbm>>
        %dma_wait3A_715 = arith.constant 0 : i32
        %dma_wait3A_716 = arith.constant 0 : i32
        %dma_wait3A_717 = tpu.memref_slice %arg10[%dma_wait3A_715, %dma_wait3A_716] : memref<100x128xf32, #tpu.memory_space<vmem>> -> memref<50x128xf32, #tpu.memory_space<vmem>>
        tpu.wait_dma2 semaphore(%arg26 : memref<!tpu.dma_semaphore, #tpu.memory_space<semaphore_mem>>) src(%dma_wait3A_717 : memref<50x128xf32, #tpu.memory_space<vmem>>) dst(%dma_wait3A_714 : memref<50x128xf32, #tpu.memory_space<hbm>>)
        %dma_wait3A_718 = arith.constant 0 : i32
        %dma_wait3A_719 = arith.constant 0 : i32
        %dma_wait3A_720 = tpu.memref_slice %arg10[%dma_wait3A_718, %dma_wait3A_719] : memref<100x128xf32, #tpu.memory_space<vmem>> -> memref<50x128xf32, #tpu.memory_space<vmem>>
        %dma_wait3A_721 = arith.constant 0 : i32
        %dma_wait3A_722 = arith.constant 0 : i32
        %dma_wait3A_723 = tpu.memref_slice %arg4[%mul3A_2, %dma_wait3A_721, %dma_wait3A_722] : memref<4096x50x128xf32, #tpu.memory_space<hbm>> -> memref<1x50x128xf32, #tpu.memory_space<hbm>>
        %dma_wait3A_724 = tpu.memref_squeeze %dma_wait3A_723 : memref<1x50x128xf32, #tpu.memory_space<hbm>> -> memref<50x128xf32, #tpu.memory_space<hbm>>
        %dma_wait3A_725 = arith.constant 0 : i32
        %dma_wait3A_726 = arith.constant 0 : i32
        %dma_wait3A_727 = tpu.memref_slice %arg4[%mul3A_2, %dma_wait3A_725, %dma_wait3A_726] : memref<4096x50x128xf32, #tpu.memory_space<hbm>> -> memref<1x50x128xf32, #tpu.memory_space<hbm>>
        %dma_wait3A_728 = tpu.memref_squeeze %dma_wait3A_727 : memref<1x50x128xf32, #tpu.memory_space<hbm>> -> memref<50x128xf32, #tpu.memory_space<hbm>>
        %dma_wait3A_729 = arith.constant 0 : i32
        %dma_wait3A_730 = arith.constant 0 : i32
        %dma_wait3A_731 = tpu.memref_slice %arg10[%dma_wait3A_729, %dma_wait3A_730] : memref<100x128xf32, #tpu.memory_space<vmem>> -> memref<50x128xf32, #tpu.memory_space<vmem>>
        tpu.wait_dma2 semaphore(%arg26 : memref<!tpu.dma_semaphore, #tpu.memory_space<semaphore_mem>>) src(%dma_wait3A_731 : memref<50x128xf32, #tpu.memory_space<vmem>>) dst(%dma_wait3A_728 : memref<50x128xf32, #tpu.memory_space<hbm>>)
        %add3A_732 = arith.constant 8 : i32
        %add3A_733 = arith.addi %mul3A_290, %add3A_732 : i32
        %add3A_734 = arith.constant 4 : i32
        %add3A_735 = arith.addi %add3A_733, %add3A_734 : i32
        %dma_start3A_736 = arith.constant 0 : i32
        %dma_start3A_737 = tpu.memref_slice %arg5[%add3A_735, %dma_start3A_736] : memref<64x100xi32, #tpu.memory_space<vmem>> -> memref<1x100xi32, #tpu.memory_space<vmem>>
        %dma_start3A_738 = tpu.memref_squeeze %dma_start3A_737 : memref<1x100xi32, #tpu.memory_space<vmem>> -> memref<100xi32, #tpu.memory_space<vmem>>
        %dma_start3A_739 = arith.constant 0 : i32
        %dma_start3A_740 = arith.constant 0 : i32
        %dma_start3A_741 = tpu.memref_slice %arg3[%dma_start3A_739, %dma_start3A_740] : memref<100000x128xf32, #tpu.memory_space<hbm>> -> memref<100000x128xf32, #tpu.memory_space<hbm>>
        tpu.enqueue_indirect_dma source(%dma_start3A_741 : memref<100000x128xf32, #tpu.memory_space<hbm>>) target(%arg10 : memref<100x128xf32, #tpu.memory_space<vmem>>) offsets(%dma_start3A_738 : memref<100xi32, #tpu.memory_space<vmem>>) semaphore(%arg18 : memref<!tpu.dma_semaphore, #tpu.memory_space<semaphore_mem>>)
      } else {
      }
      %lt3A_689 = arith.constant 7 : i32
      %lt3A_690 = arith.cmpi slt, %scan3A_288, %lt3A_689 : i32
      %convert_element_type3A_691 = arith.extui %lt3A_690 : i1 to i32
      %cond3A_692 = arith.constant 0 : i32
      %cond3A_693 = arith.cmpi ne, %convert_element_type3A_691, %cond3A_692 : i32
      scf.if %cond3A_693 {
        %dma_wait3A_704 = arith.constant 0 : i32
        %dma_wait3A_705 = arith.constant 0 : i32
        %dma_wait3A_706 = tpu.memref_slice %arg11[%dma_wait3A_704, %dma_wait3A_705] : memref<100x128xf32, #tpu.memory_space<vmem>> -> memref<50x128xf32, #tpu.memory_space<vmem>>
        %dma_wait3A_707 = arith.constant 0 : i32
        %dma_wait3A_708 = arith.constant 0 : i32
        %dma_wait3A_709 = tpu.memref_slice %arg4[%mul3A_2, %dma_wait3A_707, %dma_wait3A_708] : memref<4096x50x128xf32, #tpu.memory_space<hbm>> -> memref<1x50x128xf32, #tpu.memory_space<hbm>>
        %dma_wait3A_710 = tpu.memref_squeeze %dma_wait3A_709 : memref<1x50x128xf32, #tpu.memory_space<hbm>> -> memref<50x128xf32, #tpu.memory_space<hbm>>
        %dma_wait3A_711 = arith.constant 0 : i32
        %dma_wait3A_712 = arith.constant 0 : i32
        %dma_wait3A_713 = tpu.memref_slice %arg4[%mul3A_2, %dma_wait3A_711, %dma_wait3A_712] : memref<4096x50x128xf32, #tpu.memory_space<hbm>> -> memref<1x50x128xf32, #tpu.memory_space<hbm>>
        %dma_wait3A_714 = tpu.memref_squeeze %dma_wait3A_713 : memref<1x50x128xf32, #tpu.memory_space<hbm>> -> memref<50x128xf32, #tpu.memory_space<hbm>>
        %dma_wait3A_715 = arith.constant 0 : i32
        %dma_wait3A_716 = arith.constant 0 : i32
        %dma_wait3A_717 = tpu.memref_slice %arg11[%dma_wait3A_715, %dma_wait3A_716] : memref<100x128xf32, #tpu.memory_space<vmem>> -> memref<50x128xf32, #tpu.memory_space<vmem>>
        tpu.wait_dma2 semaphore(%arg27 : memref<!tpu.dma_semaphore, #tpu.memory_space<semaphore_mem>>) src(%dma_wait3A_717 : memref<50x128xf32, #tpu.memory_space<vmem>>) dst(%dma_wait3A_714 : memref<50x128xf32, #tpu.memory_space<hbm>>)
        %dma_wait3A_718 = arith.constant 0 : i32
        %dma_wait3A_719 = arith.constant 0 : i32
        %dma_wait3A_720 = tpu.memref_slice %arg11[%dma_wait3A_718, %dma_wait3A_719] : memref<100x128xf32, #tpu.memory_space<vmem>> -> memref<50x128xf32, #tpu.memory_space<vmem>>
        %dma_wait3A_721 = arith.constant 0 : i32
        %dma_wait3A_722 = arith.constant 0 : i32
        %dma_wait3A_723 = tpu.memref_slice %arg4[%mul3A_2, %dma_wait3A_721, %dma_wait3A_722] : memref<4096x50x128xf32, #tpu.memory_space<hbm>> -> memref<1x50x128xf32, #tpu.memory_space<hbm>>
        %dma_wait3A_724 = tpu.memref_squeeze %dma_wait3A_723 : memref<1x50x128xf32, #tpu.memory_space<hbm>> -> memref<50x128xf32, #tpu.memory_space<hbm>>
        %dma_wait3A_725 = arith.constant 0 : i32
        %dma_wait3A_726 = arith.constant 0 : i32
        %dma_wait3A_727 = tpu.memref_slice %arg4[%mul3A_2, %dma_wait3A_725, %dma_wait3A_726] : memref<4096x50x128xf32, #tpu.memory_space<hbm>> -> memref<1x50x128xf32, #tpu.memory_space<hbm>>
        %dma_wait3A_728 = tpu.memref_squeeze %dma_wait3A_727 : memref<1x50x128xf32, #tpu.memory_space<hbm>> -> memref<50x128xf32, #tpu.memory_space<hbm>>
        %dma_wait3A_729 = arith.constant 0 : i32
        %dma_wait3A_730 = arith.constant 0 : i32
        %dma_wait3A_731 = tpu.memref_slice %arg11[%dma_wait3A_729, %dma_wait3A_730] : memref<100x128xf32, #tpu.memory_space<vmem>> -> memref<50x128xf32, #tpu.memory_space<vmem>>
        tpu.wait_dma2 semaphore(%arg27 : memref<!tpu.dma_semaphore, #tpu.memory_space<semaphore_mem>>) src(%dma_wait3A_731 : memref<50x128xf32, #tpu.memory_space<vmem>>) dst(%dma_wait3A_728 : memref<50x128xf32, #tpu.memory_space<hbm>>)
        %add3A_732 = arith.constant 8 : i32
        %add3A_733 = arith.addi %mul3A_290, %add3A_732 : i32
        %add3A_734 = arith.constant 5 : i32
        %add3A_735 = arith.addi %add3A_733, %add3A_734 : i32
        %dma_start3A_736 = arith.constant 0 : i32
        %dma_start3A_737 = tpu.memref_slice %arg5[%add3A_735, %dma_start3A_736] : memref<64x100xi32, #tpu.memory_space<vmem>> -> memref<1x100xi32, #tpu.memory_space<vmem>>
        %dma_start3A_738 = tpu.memref_squeeze %dma_start3A_737 : memref<1x100xi32, #tpu.memory_space<vmem>> -> memref<100xi32, #tpu.memory_space<vmem>>
        %dma_start3A_739 = arith.constant 0 : i32
        %dma_start3A_740 = arith.constant 0 : i32
        %dma_start3A_741 = tpu.memref_slice %arg3[%dma_start3A_739, %dma_start3A_740] : memref<100000x128xf32, #tpu.memory_space<hbm>> -> memref<100000x128xf32, #tpu.memory_space<hbm>>
        tpu.enqueue_indirect_dma source(%dma_start3A_741 : memref<100000x128xf32, #tpu.memory_space<hbm>>) target(%arg11 : memref<100x128xf32, #tpu.memory_space<vmem>>) offsets(%dma_start3A_738 : memref<100xi32, #tpu.memory_space<vmem>>) semaphore(%arg19 : memref<!tpu.dma_semaphore, #tpu.memory_space<semaphore_mem>>)
      } else {
      }
      %lt3A_694 = arith.constant 7 : i32
      %lt3A_695 = arith.cmpi slt, %scan3A_288, %lt3A_694 : i32
      %convert_element_type3A_696 = arith.extui %lt3A_695 : i1 to i32
      %cond3A_697 = arith.constant 0 : i32
      %cond3A_698 = arith.cmpi ne, %convert_element_type3A_696, %cond3A_697 : i32
      scf.if %cond3A_698 {
        %dma_wait3A_704 = arith.constant 0 : i32
        %dma_wait3A_705 = arith.constant 0 : i32
        %dma_wait3A_706 = tpu.memref_slice %arg12[%dma_wait3A_704, %dma_wait3A_705] : memref<100x128xf32, #tpu.memory_space<vmem>> -> memref<50x128xf32, #tpu.memory_space<vmem>>
        %dma_wait3A_707 = arith.constant 0 : i32
        %dma_wait3A_708 = arith.constant 0 : i32
        %dma_wait3A_709 = tpu.memref_slice %arg4[%mul3A_2, %dma_wait3A_707, %dma_wait3A_708] : memref<4096x50x128xf32, #tpu.memory_space<hbm>> -> memref<1x50x128xf32, #tpu.memory_space<hbm>>
        %dma_wait3A_710 = tpu.memref_squeeze %dma_wait3A_709 : memref<1x50x128xf32, #tpu.memory_space<hbm>> -> memref<50x128xf32, #tpu.memory_space<hbm>>
        %dma_wait3A_711 = arith.constant 0 : i32
        %dma_wait3A_712 = arith.constant 0 : i32
        %dma_wait3A_713 = tpu.memref_slice %arg4[%mul3A_2, %dma_wait3A_711, %dma_wait3A_712] : memref<4096x50x128xf32, #tpu.memory_space<hbm>> -> memref<1x50x128xf32, #tpu.memory_space<hbm>>
        %dma_wait3A_714 = tpu.memref_squeeze %dma_wait3A_713 : memref<1x50x128xf32, #tpu.memory_space<hbm>> -> memref<50x128xf32, #tpu.memory_space<hbm>>
        %dma_wait3A_715 = arith.constant 0 : i32
        %dma_wait3A_716 = arith.constant 0 : i32
        %dma_wait3A_717 = tpu.memref_slice %arg12[%dma_wait3A_715, %dma_wait3A_716] : memref<100x128xf32, #tpu.memory_space<vmem>> -> memref<50x128xf32, #tpu.memory_space<vmem>>
        tpu.wait_dma2 semaphore(%arg28 : memref<!tpu.dma_semaphore, #tpu.memory_space<semaphore_mem>>) src(%dma_wait3A_717 : memref<50x128xf32, #tpu.memory_space<vmem>>) dst(%dma_wait3A_714 : memref<50x128xf32, #tpu.memory_space<hbm>>)
        %dma_wait3A_718 = arith.constant 0 : i32
        %dma_wait3A_719 = arith.constant 0 : i32
        %dma_wait3A_720 = tpu.memref_slice %arg12[%dma_wait3A_718, %dma_wait3A_719] : memref<100x128xf32, #tpu.memory_space<vmem>> -> memref<50x128xf32, #tpu.memory_space<vmem>>
        %dma_wait3A_721 = arith.constant 0 : i32
        %dma_wait3A_722 = arith.constant 0 : i32
        %dma_wait3A_723 = tpu.memref_slice %arg4[%mul3A_2, %dma_wait3A_721, %dma_wait3A_722] : memref<4096x50x128xf32, #tpu.memory_space<hbm>> -> memref<1x50x128xf32, #tpu.memory_space<hbm>>
        %dma_wait3A_724 = tpu.memref_squeeze %dma_wait3A_723 : memref<1x50x128xf32, #tpu.memory_space<hbm>> -> memref<50x128xf32, #tpu.memory_space<hbm>>
        %dma_wait3A_725 = arith.constant 0 : i32
        %dma_wait3A_726 = arith.constant 0 : i32
        %dma_wait3A_727 = tpu.memref_slice %arg4[%mul3A_2, %dma_wait3A_725, %dma_wait3A_726] : memref<4096x50x128xf32, #tpu.memory_space<hbm>> -> memref<1x50x128xf32, #tpu.memory_space<hbm>>
        %dma_wait3A_728 = tpu.memref_squeeze %dma_wait3A_727 : memref<1x50x128xf32, #tpu.memory_space<hbm>> -> memref<50x128xf32, #tpu.memory_space<hbm>>
        %dma_wait3A_729 = arith.constant 0 : i32
        %dma_wait3A_730 = arith.constant 0 : i32
        %dma_wait3A_731 = tpu.memref_slice %arg12[%dma_wait3A_729, %dma_wait3A_730] : memref<100x128xf32, #tpu.memory_space<vmem>> -> memref<50x128xf32, #tpu.memory_space<vmem>>
        tpu.wait_dma2 semaphore(%arg28 : memref<!tpu.dma_semaphore, #tpu.memory_space<semaphore_mem>>) src(%dma_wait3A_731 : memref<50x128xf32, #tpu.memory_space<vmem>>) dst(%dma_wait3A_728 : memref<50x128xf32, #tpu.memory_space<hbm>>)
        %add3A_732 = arith.constant 8 : i32
        %add3A_733 = arith.addi %mul3A_290, %add3A_732 : i32
        %add3A_734 = arith.constant 6 : i32
        %add3A_735 = arith.addi %add3A_733, %add3A_734 : i32
        %dma_start3A_736 = arith.constant 0 : i32
        %dma_start3A_737 = tpu.memref_slice %arg5[%add3A_735, %dma_start3A_736] : memref<64x100xi32, #tpu.memory_space<vmem>> -> memref<1x100xi32, #tpu.memory_space<vmem>>
        %dma_start3A_738 = tpu.memref_squeeze %dma_start3A_737 : memref<1x100xi32, #tpu.memory_space<vmem>> -> memref<100xi32, #tpu.memory_space<vmem>>
        %dma_start3A_739 = arith.constant 0 : i32
        %dma_start3A_740 = arith.constant 0 : i32
        %dma_start3A_741 = tpu.memref_slice %arg3[%dma_start3A_739, %dma_start3A_740] : memref<100000x128xf32, #tpu.memory_space<hbm>> -> memref<100000x128xf32, #tpu.memory_space<hbm>>
        tpu.enqueue_indirect_dma source(%dma_start3A_741 : memref<100000x128xf32, #tpu.memory_space<hbm>>) target(%arg12 : memref<100x128xf32, #tpu.memory_space<vmem>>) offsets(%dma_start3A_738 : memref<100xi32, #tpu.memory_space<vmem>>) semaphore(%arg20 : memref<!tpu.dma_semaphore, #tpu.memory_space<semaphore_mem>>)
      } else {
      }
      %lt3A_699 = arith.constant 7 : i32
      %lt3A_700 = arith.cmpi slt, %scan3A_288, %lt3A_699 : i32
      %convert_element_type3A_701 = arith.extui %lt3A_700 : i1 to i32
      %cond3A_702 = arith.constant 0 : i32
      %cond3A_703 = arith.cmpi ne, %convert_element_type3A_701, %cond3A_702 : i32
      scf.if %cond3A_703 {
        %dma_wait3A_704 = arith.constant 0 : i32
        %dma_wait3A_705 = arith.constant 0 : i32
        %dma_wait3A_706 = tpu.memref_slice %arg13[%dma_wait3A_704, %dma_wait3A_705] : memref<100x128xf32, #tpu.memory_space<vmem>> -> memref<50x128xf32, #tpu.memory_space<vmem>>
        %dma_wait3A_707 = arith.constant 0 : i32
        %dma_wait3A_708 = arith.constant 0 : i32
        %dma_wait3A_709 = tpu.memref_slice %arg4[%mul3A_2, %dma_wait3A_707, %dma_wait3A_708] : memref<4096x50x128xf32, #tpu.memory_space<hbm>> -> memref<1x50x128xf32, #tpu.memory_space<hbm>>
        %dma_wait3A_710 = tpu.memref_squeeze %dma_wait3A_709 : memref<1x50x128xf32, #tpu.memory_space<hbm>> -> memref<50x128xf32, #tpu.memory_space<hbm>>
        %dma_wait3A_711 = arith.constant 0 : i32
        %dma_wait3A_712 = arith.constant 0 : i32
        %dma_wait3A_713 = tpu.memref_slice %arg4[%mul3A_2, %dma_wait3A_711, %dma_wait3A_712] : memref<4096x50x128xf32, #tpu.memory_space<hbm>> -> memref<1x50x128xf32, #tpu.memory_space<hbm>>
        %dma_wait3A_714 = tpu.memref_squeeze %dma_wait3A_713 : memref<1x50x128xf32, #tpu.memory_space<hbm>> -> memref<50x128xf32, #tpu.memory_space<hbm>>
        %dma_wait3A_715 = arith.constant 0 : i32
        %dma_wait3A_716 = arith.constant 0 : i32
        %dma_wait3A_717 = tpu.memref_slice %arg13[%dma_wait3A_715, %dma_wait3A_716] : memref<100x128xf32, #tpu.memory_space<vmem>> -> memref<50x128xf32, #tpu.memory_space<vmem>>
        tpu.wait_dma2 semaphore(%arg29 : memref<!tpu.dma_semaphore, #tpu.memory_space<semaphore_mem>>) src(%dma_wait3A_717 : memref<50x128xf32, #tpu.memory_space<vmem>>) dst(%dma_wait3A_714 : memref<50x128xf32, #tpu.memory_space<hbm>>)
        %dma_wait3A_718 = arith.constant 0 : i32
        %dma_wait3A_719 = arith.constant 0 : i32
        %dma_wait3A_720 = tpu.memref_slice %arg13[%dma_wait3A_718, %dma_wait3A_719] : memref<100x128xf32, #tpu.memory_space<vmem>> -> memref<50x128xf32, #tpu.memory_space<vmem>>
        %dma_wait3A_721 = arith.constant 0 : i32
        %dma_wait3A_722 = arith.constant 0 : i32
        %dma_wait3A_723 = tpu.memref_slice %arg4[%mul3A_2, %dma_wait3A_721, %dma_wait3A_722] : memref<4096x50x128xf32, #tpu.memory_space<hbm>> -> memref<1x50x128xf32, #tpu.memory_space<hbm>>
        %dma_wait3A_724 = tpu.memref_squeeze %dma_wait3A_723 : memref<1x50x128xf32, #tpu.memory_space<hbm>> -> memref<50x128xf32, #tpu.memory_space<hbm>>
        %dma_wait3A_725 = arith.constant 0 : i32
        %dma_wait3A_726 = arith.constant 0 : i32
        %dma_wait3A_727 = tpu.memref_slice %arg4[%mul3A_2, %dma_wait3A_725, %dma_wait3A_726] : memref<4096x50x128xf32, #tpu.memory_space<hbm>> -> memref<1x50x128xf32, #tpu.memory_space<hbm>>
        %dma_wait3A_728 = tpu.memref_squeeze %dma_wait3A_727 : memref<1x50x128xf32, #tpu.memory_space<hbm>> -> memref<50x128xf32, #tpu.memory_space<hbm>>
        %dma_wait3A_729 = arith.constant 0 : i32
        %dma_wait3A_730 = arith.constant 0 : i32
        %dma_wait3A_731 = tpu.memref_slice %arg13[%dma_wait3A_729, %dma_wait3A_730] : memref<100x128xf32, #tpu.memory_space<vmem>> -> memref<50x128xf32, #tpu.memory_space<vmem>>
        tpu.wait_dma2 semaphore(%arg29 : memref<!tpu.dma_semaphore, #tpu.memory_space<semaphore_mem>>) src(%dma_wait3A_731 : memref<50x128xf32, #tpu.memory_space<vmem>>) dst(%dma_wait3A_728 : memref<50x128xf32, #tpu.memory_space<hbm>>)
        %add3A_732 = arith.constant 8 : i32
        %add3A_733 = arith.addi %mul3A_290, %add3A_732 : i32
        %add3A_734 = arith.constant 7 : i32
        %add3A_735 = arith.addi %add3A_733, %add3A_734 : i32
        %dma_start3A_736 = arith.constant 0 : i32
        %dma_start3A_737 = tpu.memref_slice %arg5[%add3A_735, %dma_start3A_736] : memref<64x100xi32, #tpu.memory_space<vmem>> -> memref<1x100xi32, #tpu.memory_space<vmem>>
        %dma_start3A_738 = tpu.memref_squeeze %dma_start3A_737 : memref<1x100xi32, #tpu.memory_space<vmem>> -> memref<100xi32, #tpu.memory_space<vmem>>
        %dma_start3A_739 = arith.constant 0 : i32
        %dma_start3A_740 = arith.constant 0 : i32
        %dma_start3A_741 = tpu.memref_slice %arg3[%dma_start3A_739, %dma_start3A_740] : memref<100000x128xf32, #tpu.memory_space<hbm>> -> memref<100000x128xf32, #tpu.memory_space<hbm>>
        tpu.enqueue_indirect_dma source(%dma_start3A_741 : memref<100000x128xf32, #tpu.memory_space<hbm>>) target(%arg13 : memref<100x128xf32, #tpu.memory_space<vmem>>) offsets(%dma_start3A_738 : memref<100xi32, #tpu.memory_space<vmem>>) semaphore(%arg21 : memref<!tpu.dma_semaphore, #tpu.memory_space<semaphore_mem>>)
      } else {
      }
    }
    %scan3A_64 = arith.constant 8 : i32
    %dma_wait3A = arith.constant 0 : i32
    %dma_wait3A_65 = arith.constant 0 : i32
    %dma_wait3A_66 = tpu.memref_slice %arg6[%dma_wait3A, %dma_wait3A_65] : memref<100x128xf32, #tpu.memory_space<vmem>> -> memref<50x128xf32, #tpu.memory_space<vmem>>
    %dma_wait3A_67 = arith.constant 0 : i32
    %dma_wait3A_68 = arith.constant 0 : i32
    %dma_wait3A_69 = tpu.memref_slice %arg4[%mul3A_2, %dma_wait3A_67, %dma_wait3A_68] : memref<4096x50x128xf32, #tpu.memory_space<hbm>> -> memref<1x50x128xf32, #tpu.memory_space<hbm>>
    %dma_wait3A_70 = tpu.memref_squeeze %dma_wait3A_69 : memref<1x50x128xf32, #tpu.memory_space<hbm>> -> memref<50x128xf32, #tpu.memory_space<hbm>>
    %dma_wait3A_71 = arith.constant 0 : i32
    %dma_wait3A_72 = arith.constant 0 : i32
    %dma_wait3A_73 = tpu.memref_slice %arg4[%mul3A_2, %dma_wait3A_71, %dma_wait3A_72] : memref<4096x50x128xf32, #tpu.memory_space<hbm>> -> memref<1x50x128xf32, #tpu.memory_space<hbm>>
    %dma_wait3A_74 = tpu.memref_squeeze %dma_wait3A_73 : memref<1x50x128xf32, #tpu.memory_space<hbm>> -> memref<50x128xf32, #tpu.memory_space<hbm>>
    %dma_wait3A_75 = arith.constant 0 : i32
    %dma_wait3A_76 = arith.constant 0 : i32
    %dma_wait3A_77 = tpu.memref_slice %arg6[%dma_wait3A_75, %dma_wait3A_76] : memref<100x128xf32, #tpu.memory_space<vmem>> -> memref<50x128xf32, #tpu.memory_space<vmem>>
    tpu.wait_dma2 semaphore(%arg22 : memref<!tpu.dma_semaphore, #tpu.memory_space<semaphore_mem>>) src(%dma_wait3A_77 : memref<50x128xf32, #tpu.memory_space<vmem>>) dst(%dma_wait3A_74 : memref<50x128xf32, #tpu.memory_space<hbm>>)
    %dma_wait3A_78 = arith.constant 0 : i32
    %dma_wait3A_79 = arith.constant 0 : i32
    %dma_wait3A_80 = tpu.memref_slice %arg6[%dma_wait3A_78, %dma_wait3A_79] : memref<100x128xf32, #tpu.memory_space<vmem>> -> memref<50x128xf32, #tpu.memory_space<vmem>>
    %dma_wait3A_81 = arith.constant 0 : i32
    %dma_wait3A_82 = arith.constant 0 : i32
    %dma_wait3A_83 = tpu.memref_slice %arg4[%mul3A_2, %dma_wait3A_81, %dma_wait3A_82] : memref<4096x50x128xf32, #tpu.memory_space<hbm>> -> memref<1x50x128xf32, #tpu.memory_space<hbm>>
    %dma_wait3A_84 = tpu.memref_squeeze %dma_wait3A_83 : memref<1x50x128xf32, #tpu.memory_space<hbm>> -> memref<50x128xf32, #tpu.memory_space<hbm>>
    %dma_wait3A_85 = arith.constant 0 : i32
    %dma_wait3A_86 = arith.constant 0 : i32
    %dma_wait3A_87 = tpu.memref_slice %arg4[%mul3A_2, %dma_wait3A_85, %dma_wait3A_86] : memref<4096x50x128xf32, #tpu.memory_space<hbm>> -> memref<1x50x128xf32, #tpu.memory_space<hbm>>
    %dma_wait3A_88 = tpu.memref_squeeze %dma_wait3A_87 : memref<1x50x128xf32, #tpu.memory_space<hbm>> -> memref<50x128xf32, #tpu.memory_space<hbm>>
    %dma_wait3A_89 = arith.constant 0 : i32
    %dma_wait3A_90 = arith.constant 0 : i32
    %dma_wait3A_91 = tpu.memref_slice %arg6[%dma_wait3A_89, %dma_wait3A_90] : memref<100x128xf32, #tpu.memory_space<vmem>> -> memref<50x128xf32, #tpu.memory_space<vmem>>
    tpu.wait_dma2 semaphore(%arg22 : memref<!tpu.dma_semaphore, #tpu.memory_space<semaphore_mem>>) src(%dma_wait3A_91 : memref<50x128xf32, #tpu.memory_space<vmem>>) dst(%dma_wait3A_88 : memref<50x128xf32, #tpu.memory_space<hbm>>)
    %dma_wait3A_92 = arith.constant 0 : i32
    %dma_wait3A_93 = arith.constant 0 : i32
    %dma_wait3A_94 = tpu.memref_slice %arg7[%dma_wait3A_92, %dma_wait3A_93] : memref<100x128xf32, #tpu.memory_space<vmem>> -> memref<50x128xf32, #tpu.memory_space<vmem>>
    %dma_wait3A_95 = arith.constant 0 : i32
    %dma_wait3A_96 = arith.constant 0 : i32
    %dma_wait3A_97 = tpu.memref_slice %arg4[%mul3A_2, %dma_wait3A_95, %dma_wait3A_96] : memref<4096x50x128xf32, #tpu.memory_space<hbm>> -> memref<1x50x128xf32, #tpu.memory_space<hbm>>
    %dma_wait3A_98 = tpu.memref_squeeze %dma_wait3A_97 : memref<1x50x128xf32, #tpu.memory_space<hbm>> -> memref<50x128xf32, #tpu.memory_space<hbm>>
    %dma_wait3A_99 = arith.constant 0 : i32
    %dma_wait3A_100 = arith.constant 0 : i32
    %dma_wait3A_101 = tpu.memref_slice %arg4[%mul3A_2, %dma_wait3A_99, %dma_wait3A_100] : memref<4096x50x128xf32, #tpu.memory_space<hbm>> -> memref<1x50x128xf32, #tpu.memory_space<hbm>>
    %dma_wait3A_102 = tpu.memref_squeeze %dma_wait3A_101 : memref<1x50x128xf32, #tpu.memory_space<hbm>> -> memref<50x128xf32, #tpu.memory_space<hbm>>
    %dma_wait3A_103 = arith.constant 0 : i32
    %dma_wait3A_104 = arith.constant 0 : i32
    %dma_wait3A_105 = tpu.memref_slice %arg7[%dma_wait3A_103, %dma_wait3A_104] : memref<100x128xf32, #tpu.memory_space<vmem>> -> memref<50x128xf32, #tpu.memory_space<vmem>>
    tpu.wait_dma2 semaphore(%arg23 : memref<!tpu.dma_semaphore, #tpu.memory_space<semaphore_mem>>) src(%dma_wait3A_105 : memref<50x128xf32, #tpu.memory_space<vmem>>) dst(%dma_wait3A_102 : memref<50x128xf32, #tpu.memory_space<hbm>>)
    %dma_wait3A_106 = arith.constant 0 : i32
    %dma_wait3A_107 = arith.constant 0 : i32
    %dma_wait3A_108 = tpu.memref_slice %arg7[%dma_wait3A_106, %dma_wait3A_107] : memref<100x128xf32, #tpu.memory_space<vmem>> -> memref<50x128xf32, #tpu.memory_space<vmem>>
    %dma_wait3A_109 = arith.constant 0 : i32
    %dma_wait3A_110 = arith.constant 0 : i32
    %dma_wait3A_111 = tpu.memref_slice %arg4[%mul3A_2, %dma_wait3A_109, %dma_wait3A_110] : memref<4096x50x128xf32, #tpu.memory_space<hbm>> -> memref<1x50x128xf32, #tpu.memory_space<hbm>>
    %dma_wait3A_112 = tpu.memref_squeeze %dma_wait3A_111 : memref<1x50x128xf32, #tpu.memory_space<hbm>> -> memref<50x128xf32, #tpu.memory_space<hbm>>
    %dma_wait3A_113 = arith.constant 0 : i32
    %dma_wait3A_114 = arith.constant 0 : i32
    %dma_wait3A_115 = tpu.memref_slice %arg4[%mul3A_2, %dma_wait3A_113, %dma_wait3A_114] : memref<4096x50x128xf32, #tpu.memory_space<hbm>> -> memref<1x50x128xf32, #tpu.memory_space<hbm>>
    %dma_wait3A_116 = tpu.memref_squeeze %dma_wait3A_115 : memref<1x50x128xf32, #tpu.memory_space<hbm>> -> memref<50x128xf32, #tpu.memory_space<hbm>>
    %dma_wait3A_117 = arith.constant 0 : i32
    %dma_wait3A_118 = arith.constant 0 : i32
    %dma_wait3A_119 = tpu.memref_slice %arg7[%dma_wait3A_117, %dma_wait3A_118] : memref<100x128xf32, #tpu.memory_space<vmem>> -> memref<50x128xf32, #tpu.memory_space<vmem>>
    tpu.wait_dma2 semaphore(%arg23 : memref<!tpu.dma_semaphore, #tpu.memory_space<semaphore_mem>>) src(%dma_wait3A_119 : memref<50x128xf32, #tpu.memory_space<vmem>>) dst(%dma_wait3A_116 : memref<50x128xf32, #tpu.memory_space<hbm>>)
    %dma_wait3A_120 = arith.constant 0 : i32
    %dma_wait3A_121 = arith.constant 0 : i32
    %dma_wait3A_122 = tpu.memref_slice %arg8[%dma_wait3A_120, %dma_wait3A_121] : memref<100x128xf32, #tpu.memory_space<vmem>> -> memref<50x128xf32, #tpu.memory_space<vmem>>
    %dma_wait3A_123 = arith.constant 0 : i32
    %dma_wait3A_124 = arith.constant 0 : i32
    %dma_wait3A_125 = tpu.memref_slice %arg4[%mul3A_2, %dma_wait3A_123, %dma_wait3A_124] : memref<4096x50x128xf32, #tpu.memory_space<hbm>> -> memref<1x50x128xf32, #tpu.memory_space<hbm>>
    %dma_wait3A_126 = tpu.memref_squeeze %dma_wait3A_125 : memref<1x50x128xf32, #tpu.memory_space<hbm>> -> memref<50x128xf32, #tpu.memory_space<hbm>>
    %dma_wait3A_127 = arith.constant 0 : i32
    %dma_wait3A_128 = arith.constant 0 : i32
    %dma_wait3A_129 = tpu.memref_slice %arg4[%mul3A_2, %dma_wait3A_127, %dma_wait3A_128] : memref<4096x50x128xf32, #tpu.memory_space<hbm>> -> memref<1x50x128xf32, #tpu.memory_space<hbm>>
    %dma_wait3A_130 = tpu.memref_squeeze %dma_wait3A_129 : memref<1x50x128xf32, #tpu.memory_space<hbm>> -> memref<50x128xf32, #tpu.memory_space<hbm>>
    %dma_wait3A_131 = arith.constant 0 : i32
    %dma_wait3A_132 = arith.constant 0 : i32
    %dma_wait3A_133 = tpu.memref_slice %arg8[%dma_wait3A_131, %dma_wait3A_132] : memref<100x128xf32, #tpu.memory_space<vmem>> -> memref<50x128xf32, #tpu.memory_space<vmem>>
    tpu.wait_dma2 semaphore(%arg24 : memref<!tpu.dma_semaphore, #tpu.memory_space<semaphore_mem>>) src(%dma_wait3A_133 : memref<50x128xf32, #tpu.memory_space<vmem>>) dst(%dma_wait3A_130 : memref<50x128xf32, #tpu.memory_space<hbm>>)
    %dma_wait3A_134 = arith.constant 0 : i32
    %dma_wait3A_135 = arith.constant 0 : i32
    %dma_wait3A_136 = tpu.memref_slice %arg8[%dma_wait3A_134, %dma_wait3A_135] : memref<100x128xf32, #tpu.memory_space<vmem>> -> memref<50x128xf32, #tpu.memory_space<vmem>>
    %dma_wait3A_137 = arith.constant 0 : i32
    %dma_wait3A_138 = arith.constant 0 : i32
    %dma_wait3A_139 = tpu.memref_slice %arg4[%mul3A_2, %dma_wait3A_137, %dma_wait3A_138] : memref<4096x50x128xf32, #tpu.memory_space<hbm>> -> memref<1x50x128xf32, #tpu.memory_space<hbm>>
    %dma_wait3A_140 = tpu.memref_squeeze %dma_wait3A_139 : memref<1x50x128xf32, #tpu.memory_space<hbm>> -> memref<50x128xf32, #tpu.memory_space<hbm>>
    %dma_wait3A_141 = arith.constant 0 : i32
    %dma_wait3A_142 = arith.constant 0 : i32
    %dma_wait3A_143 = tpu.memref_slice %arg4[%mul3A_2, %dma_wait3A_141, %dma_wait3A_142] : memref<4096x50x128xf32, #tpu.memory_space<hbm>> -> memref<1x50x128xf32, #tpu.memory_space<hbm>>
    %dma_wait3A_144 = tpu.memref_squeeze %dma_wait3A_143 : memref<1x50x128xf32, #tpu.memory_space<hbm>> -> memref<50x128xf32, #tpu.memory_space<hbm>>
    %dma_wait3A_145 = arith.constant 0 : i32
    %dma_wait3A_146 = arith.constant 0 : i32
    %dma_wait3A_147 = tpu.memref_slice %arg8[%dma_wait3A_145, %dma_wait3A_146] : memref<100x128xf32, #tpu.memory_space<vmem>> -> memref<50x128xf32, #tpu.memory_space<vmem>>
    tpu.wait_dma2 semaphore(%arg24 : memref<!tpu.dma_semaphore, #tpu.memory_space<semaphore_mem>>) src(%dma_wait3A_147 : memref<50x128xf32, #tpu.memory_space<vmem>>) dst(%dma_wait3A_144 : memref<50x128xf32, #tpu.memory_space<hbm>>)
    %dma_wait3A_148 = arith.constant 0 : i32
    %dma_wait3A_149 = arith.constant 0 : i32
    %dma_wait3A_150 = tpu.memref_slice %arg9[%dma_wait3A_148, %dma_wait3A_149] : memref<100x128xf32, #tpu.memory_space<vmem>> -> memref<50x128xf32, #tpu.memory_space<vmem>>
    %dma_wait3A_151 = arith.constant 0 : i32
    %dma_wait3A_152 = arith.constant 0 : i32
    %dma_wait3A_153 = tpu.memref_slice %arg4[%mul3A_2, %dma_wait3A_151, %dma_wait3A_152] : memref<4096x50x128xf32, #tpu.memory_space<hbm>> -> memref<1x50x128xf32, #tpu.memory_space<hbm>>
    %dma_wait3A_154 = tpu.memref_squeeze %dma_wait3A_153 : memref<1x50x128xf32, #tpu.memory_space<hbm>> -> memref<50x128xf32, #tpu.memory_space<hbm>>
    %dma_wait3A_155 = arith.constant 0 : i32
    %dma_wait3A_156 = arith.constant 0 : i32
    %dma_wait3A_157 = tpu.memref_slice %arg4[%mul3A_2, %dma_wait3A_155, %dma_wait3A_156] : memref<4096x50x128xf32, #tpu.memory_space<hbm>> -> memref<1x50x128xf32, #tpu.memory_space<hbm>>
    %dma_wait3A_158 = tpu.memref_squeeze %dma_wait3A_157 : memref<1x50x128xf32, #tpu.memory_space<hbm>> -> memref<50x128xf32, #tpu.memory_space<hbm>>
    %dma_wait3A_159 = arith.constant 0 : i32
    %dma_wait3A_160 = arith.constant 0 : i32
    %dma_wait3A_161 = tpu.memref_slice %arg9[%dma_wait3A_159, %dma_wait3A_160] : memref<100x128xf32, #tpu.memory_space<vmem>> -> memref<50x128xf32, #tpu.memory_space<vmem>>
    tpu.wait_dma2 semaphore(%arg25 : memref<!tpu.dma_semaphore, #tpu.memory_space<semaphore_mem>>) src(%dma_wait3A_161 : memref<50x128xf32, #tpu.memory_space<vmem>>) dst(%dma_wait3A_158 : memref<50x128xf32, #tpu.memory_space<hbm>>)
    %dma_wait3A_162 = arith.constant 0 : i32
    %dma_wait3A_163 = arith.constant 0 : i32
    %dma_wait3A_164 = tpu.memref_slice %arg9[%dma_wait3A_162, %dma_wait3A_163] : memref<100x128xf32, #tpu.memory_space<vmem>> -> memref<50x128xf32, #tpu.memory_space<vmem>>
    %dma_wait3A_165 = arith.constant 0 : i32
    %dma_wait3A_166 = arith.constant 0 : i32
    %dma_wait3A_167 = tpu.memref_slice %arg4[%mul3A_2, %dma_wait3A_165, %dma_wait3A_166] : memref<4096x50x128xf32, #tpu.memory_space<hbm>> -> memref<1x50x128xf32, #tpu.memory_space<hbm>>
    %dma_wait3A_168 = tpu.memref_squeeze %dma_wait3A_167 : memref<1x50x128xf32, #tpu.memory_space<hbm>> -> memref<50x128xf32, #tpu.memory_space<hbm>>
    %dma_wait3A_169 = arith.constant 0 : i32
    %dma_wait3A_170 = arith.constant 0 : i32
    %dma_wait3A_171 = tpu.memref_slice %arg4[%mul3A_2, %dma_wait3A_169, %dma_wait3A_170] : memref<4096x50x128xf32, #tpu.memory_space<hbm>> -> memref<1x50x128xf32, #tpu.memory_space<hbm>>
    %dma_wait3A_172 = tpu.memref_squeeze %dma_wait3A_171 : memref<1x50x128xf32, #tpu.memory_space<hbm>> -> memref<50x128xf32, #tpu.memory_space<hbm>>
    %dma_wait3A_173 = arith.constant 0 : i32
    %dma_wait3A_174 = arith.constant 0 : i32
    %dma_wait3A_175 = tpu.memref_slice %arg9[%dma_wait3A_173, %dma_wait3A_174] : memref<100x128xf32, #tpu.memory_space<vmem>> -> memref<50x128xf32, #tpu.memory_space<vmem>>
    tpu.wait_dma2 semaphore(%arg25 : memref<!tpu.dma_semaphore, #tpu.memory_space<semaphore_mem>>) src(%dma_wait3A_175 : memref<50x128xf32, #tpu.memory_space<vmem>>) dst(%dma_wait3A_172 : memref<50x128xf32, #tpu.memory_space<hbm>>)
    %dma_wait3A_176 = arith.constant 0 : i32
    %dma_wait3A_177 = arith.constant 0 : i32
    %dma_wait3A_178 = tpu.memref_slice %arg10[%dma_wait3A_176, %dma_wait3A_177] : memref<100x128xf32, #tpu.memory_space<vmem>> -> memref<50x128xf32, #tpu.memory_space<vmem>>
    %dma_wait3A_179 = arith.constant 0 : i32
    %dma_wait3A_180 = arith.constant 0 : i32
    %dma_wait3A_181 = tpu.memref_slice %arg4[%mul3A_2, %dma_wait3A_179, %dma_wait3A_180] : memref<4096x50x128xf32, #tpu.memory_space<hbm>> -> memref<1x50x128xf32, #tpu.memory_space<hbm>>
    %dma_wait3A_182 = tpu.memref_squeeze %dma_wait3A_181 : memref<1x50x128xf32, #tpu.memory_space<hbm>> -> memref<50x128xf32, #tpu.memory_space<hbm>>
    %dma_wait3A_183 = arith.constant 0 : i32
    %dma_wait3A_184 = arith.constant 0 : i32
    %dma_wait3A_185 = tpu.memref_slice %arg4[%mul3A_2, %dma_wait3A_183, %dma_wait3A_184] : memref<4096x50x128xf32, #tpu.memory_space<hbm>> -> memref<1x50x128xf32, #tpu.memory_space<hbm>>
    %dma_wait3A_186 = tpu.memref_squeeze %dma_wait3A_185 : memref<1x50x128xf32, #tpu.memory_space<hbm>> -> memref<50x128xf32, #tpu.memory_space<hbm>>
    %dma_wait3A_187 = arith.constant 0 : i32
    %dma_wait3A_188 = arith.constant 0 : i32
    %dma_wait3A_189 = tpu.memref_slice %arg10[%dma_wait3A_187, %dma_wait3A_188] : memref<100x128xf32, #tpu.memory_space<vmem>> -> memref<50x128xf32, #tpu.memory_space<vmem>>
    tpu.wait_dma2 semaphore(%arg26 : memref<!tpu.dma_semaphore, #tpu.memory_space<semaphore_mem>>) src(%dma_wait3A_189 : memref<50x128xf32, #tpu.memory_space<vmem>>) dst(%dma_wait3A_186 : memref<50x128xf32, #tpu.memory_space<hbm>>)
    %dma_wait3A_190 = arith.constant 0 : i32
    %dma_wait3A_191 = arith.constant 0 : i32
    %dma_wait3A_192 = tpu.memref_slice %arg10[%dma_wait3A_190, %dma_wait3A_191] : memref<100x128xf32, #tpu.memory_space<vmem>> -> memref<50x128xf32, #tpu.memory_space<vmem>>
    %dma_wait3A_193 = arith.constant 0 : i32
    %dma_wait3A_194 = arith.constant 0 : i32
    %dma_wait3A_195 = tpu.memref_slice %arg4[%mul3A_2, %dma_wait3A_193, %dma_wait3A_194] : memref<4096x50x128xf32, #tpu.memory_space<hbm>> -> memref<1x50x128xf32, #tpu.memory_space<hbm>>
    %dma_wait3A_196 = tpu.memref_squeeze %dma_wait3A_195 : memref<1x50x128xf32, #tpu.memory_space<hbm>> -> memref<50x128xf32, #tpu.memory_space<hbm>>
    %dma_wait3A_197 = arith.constant 0 : i32
    %dma_wait3A_198 = arith.constant 0 : i32
    %dma_wait3A_199 = tpu.memref_slice %arg4[%mul3A_2, %dma_wait3A_197, %dma_wait3A_198] : memref<4096x50x128xf32, #tpu.memory_space<hbm>> -> memref<1x50x128xf32, #tpu.memory_space<hbm>>
    %dma_wait3A_200 = tpu.memref_squeeze %dma_wait3A_199 : memref<1x50x128xf32, #tpu.memory_space<hbm>> -> memref<50x128xf32, #tpu.memory_space<hbm>>
    %dma_wait3A_201 = arith.constant 0 : i32
    %dma_wait3A_202 = arith.constant 0 : i32
    %dma_wait3A_203 = tpu.memref_slice %arg10[%dma_wait3A_201, %dma_wait3A_202] : memref<100x128xf32, #tpu.memory_space<vmem>> -> memref<50x128xf32, #tpu.memory_space<vmem>>
    tpu.wait_dma2 semaphore(%arg26 : memref<!tpu.dma_semaphore, #tpu.memory_space<semaphore_mem>>) src(%dma_wait3A_203 : memref<50x128xf32, #tpu.memory_space<vmem>>) dst(%dma_wait3A_200 : memref<50x128xf32, #tpu.memory_space<hbm>>)
    %dma_wait3A_204 = arith.constant 0 : i32
    %dma_wait3A_205 = arith.constant 0 : i32
    %dma_wait3A_206 = tpu.memref_slice %arg11[%dma_wait3A_204, %dma_wait3A_205] : memref<100x128xf32, #tpu.memory_space<vmem>> -> memref<50x128xf32, #tpu.memory_space<vmem>>
    %dma_wait3A_207 = arith.constant 0 : i32
    %dma_wait3A_208 = arith.constant 0 : i32
    %dma_wait3A_209 = tpu.memref_slice %arg4[%mul3A_2, %dma_wait3A_207, %dma_wait3A_208] : memref<4096x50x128xf32, #tpu.memory_space<hbm>> -> memref<1x50x128xf32, #tpu.memory_space<hbm>>
    %dma_wait3A_210 = tpu.memref_squeeze %dma_wait3A_209 : memref<1x50x128xf32, #tpu.memory_space<hbm>> -> memref<50x128xf32, #tpu.memory_space<hbm>>
    %dma_wait3A_211 = arith.constant 0 : i32
    %dma_wait3A_212 = arith.constant 0 : i32
    %dma_wait3A_213 = tpu.memref_slice %arg4[%mul3A_2, %dma_wait3A_211, %dma_wait3A_212] : memref<4096x50x128xf32, #tpu.memory_space<hbm>> -> memref<1x50x128xf32, #tpu.memory_space<hbm>>
    %dma_wait3A_214 = tpu.memref_squeeze %dma_wait3A_213 : memref<1x50x128xf32, #tpu.memory_space<hbm>> -> memref<50x128xf32, #tpu.memory_space<hbm>>
    %dma_wait3A_215 = arith.constant 0 : i32
    %dma_wait3A_216 = arith.constant 0 : i32
    %dma_wait3A_217 = tpu.memref_slice %arg11[%dma_wait3A_215, %dma_wait3A_216] : memref<100x128xf32, #tpu.memory_space<vmem>> -> memref<50x128xf32, #tpu.memory_space<vmem>>
    tpu.wait_dma2 semaphore(%arg27 : memref<!tpu.dma_semaphore, #tpu.memory_space<semaphore_mem>>) src(%dma_wait3A_217 : memref<50x128xf32, #tpu.memory_space<vmem>>) dst(%dma_wait3A_214 : memref<50x128xf32, #tpu.memory_space<hbm>>)
    %dma_wait3A_218 = arith.constant 0 : i32
    %dma_wait3A_219 = arith.constant 0 : i32
    %dma_wait3A_220 = tpu.memref_slice %arg11[%dma_wait3A_218, %dma_wait3A_219] : memref<100x128xf32, #tpu.memory_space<vmem>> -> memref<50x128xf32, #tpu.memory_space<vmem>>
    %dma_wait3A_221 = arith.constant 0 : i32
    %dma_wait3A_222 = arith.constant 0 : i32
    %dma_wait3A_223 = tpu.memref_slice %arg4[%mul3A_2, %dma_wait3A_221, %dma_wait3A_222] : memref<4096x50x128xf32, #tpu.memory_space<hbm>> -> memref<1x50x128xf32, #tpu.memory_space<hbm>>
    %dma_wait3A_224 = tpu.memref_squeeze %dma_wait3A_223 : memref<1x50x128xf32, #tpu.memory_space<hbm>> -> memref<50x128xf32, #tpu.memory_space<hbm>>
    %dma_wait3A_225 = arith.constant 0 : i32
    %dma_wait3A_226 = arith.constant 0 : i32
    %dma_wait3A_227 = tpu.memref_slice %arg4[%mul3A_2, %dma_wait3A_225, %dma_wait3A_226] : memref<4096x50x128xf32, #tpu.memory_space<hbm>> -> memref<1x50x128xf32, #tpu.memory_space<hbm>>
    %dma_wait3A_228 = tpu.memref_squeeze %dma_wait3A_227 : memref<1x50x128xf32, #tpu.memory_space<hbm>> -> memref<50x128xf32, #tpu.memory_space<hbm>>
    %dma_wait3A_229 = arith.constant 0 : i32
    %dma_wait3A_230 = arith.constant 0 : i32
    %dma_wait3A_231 = tpu.memref_slice %arg11[%dma_wait3A_229, %dma_wait3A_230] : memref<100x128xf32, #tpu.memory_space<vmem>> -> memref<50x128xf32, #tpu.memory_space<vmem>>
    tpu.wait_dma2 semaphore(%arg27 : memref<!tpu.dma_semaphore, #tpu.memory_space<semaphore_mem>>) src(%dma_wait3A_231 : memref<50x128xf32, #tpu.memory_space<vmem>>) dst(%dma_wait3A_228 : memref<50x128xf32, #tpu.memory_space<hbm>>)
    %dma_wait3A_232 = arith.constant 0 : i32
    %dma_wait3A_233 = arith.constant 0 : i32
    %dma_wait3A_234 = tpu.memref_slice %arg12[%dma_wait3A_232, %dma_wait3A_233] : memref<100x128xf32, #tpu.memory_space<vmem>> -> memref<50x128xf32, #tpu.memory_space<vmem>>
    %dma_wait3A_235 = arith.constant 0 : i32
    %dma_wait3A_236 = arith.constant 0 : i32
    %dma_wait3A_237 = tpu.memref_slice %arg4[%mul3A_2, %dma_wait3A_235, %dma_wait3A_236] : memref<4096x50x128xf32, #tpu.memory_space<hbm>> -> memref<1x50x128xf32, #tpu.memory_space<hbm>>
    %dma_wait3A_238 = tpu.memref_squeeze %dma_wait3A_237 : memref<1x50x128xf32, #tpu.memory_space<hbm>> -> memref<50x128xf32, #tpu.memory_space<hbm>>
    %dma_wait3A_239 = arith.constant 0 : i32
    %dma_wait3A_240 = arith.constant 0 : i32
    %dma_wait3A_241 = tpu.memref_slice %arg4[%mul3A_2, %dma_wait3A_239, %dma_wait3A_240] : memref<4096x50x128xf32, #tpu.memory_space<hbm>> -> memref<1x50x128xf32, #tpu.memory_space<hbm>>
    %dma_wait3A_242 = tpu.memref_squeeze %dma_wait3A_241 : memref<1x50x128xf32, #tpu.memory_space<hbm>> -> memref<50x128xf32, #tpu.memory_space<hbm>>
    %dma_wait3A_243 = arith.constant 0 : i32
    %dma_wait3A_244 = arith.constant 0 : i32
    %dma_wait3A_245 = tpu.memref_slice %arg12[%dma_wait3A_243, %dma_wait3A_244] : memref<100x128xf32, #tpu.memory_space<vmem>> -> memref<50x128xf32, #tpu.memory_space<vmem>>
    tpu.wait_dma2 semaphore(%arg28 : memref<!tpu.dma_semaphore, #tpu.memory_space<semaphore_mem>>) src(%dma_wait3A_245 : memref<50x128xf32, #tpu.memory_space<vmem>>) dst(%dma_wait3A_242 : memref<50x128xf32, #tpu.memory_space<hbm>>)
    %dma_wait3A_246 = arith.constant 0 : i32
    %dma_wait3A_247 = arith.constant 0 : i32
    %dma_wait3A_248 = tpu.memref_slice %arg12[%dma_wait3A_246, %dma_wait3A_247] : memref<100x128xf32, #tpu.memory_space<vmem>> -> memref<50x128xf32, #tpu.memory_space<vmem>>
    %dma_wait3A_249 = arith.constant 0 : i32
    %dma_wait3A_250 = arith.constant 0 : i32
    %dma_wait3A_251 = tpu.memref_slice %arg4[%mul3A_2, %dma_wait3A_249, %dma_wait3A_250] : memref<4096x50x128xf32, #tpu.memory_space<hbm>> -> memref<1x50x128xf32, #tpu.memory_space<hbm>>
    %dma_wait3A_252 = tpu.memref_squeeze %dma_wait3A_251 : memref<1x50x128xf32, #tpu.memory_space<hbm>> -> memref<50x128xf32, #tpu.memory_space<hbm>>
    %dma_wait3A_253 = arith.constant 0 : i32
    %dma_wait3A_254 = arith.constant 0 : i32
    %dma_wait3A_255 = tpu.memref_slice %arg4[%mul3A_2, %dma_wait3A_253, %dma_wait3A_254] : memref<4096x50x128xf32, #tpu.memory_space<hbm>> -> memref<1x50x128xf32, #tpu.memory_space<hbm>>
    %dma_wait3A_256 = tpu.memref_squeeze %dma_wait3A_255 : memref<1x50x128xf32, #tpu.memory_space<hbm>> -> memref<50x128xf32, #tpu.memory_space<hbm>>
    %dma_wait3A_257 = arith.constant 0 : i32
    %dma_wait3A_258 = arith.constant 0 : i32
    %dma_wait3A_259 = tpu.memref_slice %arg12[%dma_wait3A_257, %dma_wait3A_258] : memref<100x128xf32, #tpu.memory_space<vmem>> -> memref<50x128xf32, #tpu.memory_space<vmem>>
    tpu.wait_dma2 semaphore(%arg28 : memref<!tpu.dma_semaphore, #tpu.memory_space<semaphore_mem>>) src(%dma_wait3A_259 : memref<50x128xf32, #tpu.memory_space<vmem>>) dst(%dma_wait3A_256 : memref<50x128xf32, #tpu.memory_space<hbm>>)
    %dma_wait3A_260 = arith.constant 0 : i32
    %dma_wait3A_261 = arith.constant 0 : i32
    %dma_wait3A_262 = tpu.memref_slice %arg13[%dma_wait3A_260, %dma_wait3A_261] : memref<100x128xf32, #tpu.memory_space<vmem>> -> memref<50x128xf32, #tpu.memory_space<vmem>>
    %dma_wait3A_263 = arith.constant 0 : i32
    %dma_wait3A_264 = arith.constant 0 : i32
    %dma_wait3A_265 = tpu.memref_slice %arg4[%mul3A_2, %dma_wait3A_263, %dma_wait3A_264] : memref<4096x50x128xf32, #tpu.memory_space<hbm>> -> memref<1x50x128xf32, #tpu.memory_space<hbm>>
    %dma_wait3A_266 = tpu.memref_squeeze %dma_wait3A_265 : memref<1x50x128xf32, #tpu.memory_space<hbm>> -> memref<50x128xf32, #tpu.memory_space<hbm>>
    %dma_wait3A_267 = arith.constant 0 : i32
    %dma_wait3A_268 = arith.constant 0 : i32
    %dma_wait3A_269 = tpu.memref_slice %arg4[%mul3A_2, %dma_wait3A_267, %dma_wait3A_268] : memref<4096x50x128xf32, #tpu.memory_space<hbm>> -> memref<1x50x128xf32, #tpu.memory_space<hbm>>
    %dma_wait3A_270 = tpu.memref_squeeze %dma_wait3A_269 : memref<1x50x128xf32, #tpu.memory_space<hbm>> -> memref<50x128xf32, #tpu.memory_space<hbm>>
    %dma_wait3A_271 = arith.constant 0 : i32
    %dma_wait3A_272 = arith.constant 0 : i32
    %dma_wait3A_273 = tpu.memref_slice %arg13[%dma_wait3A_271, %dma_wait3A_272] : memref<100x128xf32, #tpu.memory_space<vmem>> -> memref<50x128xf32, #tpu.memory_space<vmem>>
    tpu.wait_dma2 semaphore(%arg29 : memref<!tpu.dma_semaphore, #tpu.memory_space<semaphore_mem>>) src(%dma_wait3A_273 : memref<50x128xf32, #tpu.memory_space<vmem>>) dst(%dma_wait3A_270 : memref<50x128xf32, #tpu.memory_space<hbm>>)
    %dma_wait3A_274 = arith.constant 0 : i32
    %dma_wait3A_275 = arith.constant 0 : i32
    %dma_wait3A_276 = tpu.memref_slice %arg13[%dma_wait3A_274, %dma_wait3A_275] : memref<100x128xf32, #tpu.memory_space<vmem>> -> memref<50x128xf32, #tpu.memory_space<vmem>>
    %dma_wait3A_277 = arith.constant 0 : i32
    %dma_wait3A_278 = arith.constant 0 : i32
    %dma_wait3A_279 = tpu.memref_slice %arg4[%mul3A_2, %dma_wait3A_277, %dma_wait3A_278] : memref<4096x50x128xf32, #tpu.memory_space<hbm>> -> memref<1x50x128xf32, #tpu.memory_space<hbm>>
    %dma_wait3A_280 = tpu.memref_squeeze %dma_wait3A_279 : memref<1x50x128xf32, #tpu.memory_space<hbm>> -> memref<50x128xf32, #tpu.memory_space<hbm>>
    %dma_wait3A_281 = arith.constant 0 : i32
    %dma_wait3A_282 = arith.constant 0 : i32
    %dma_wait3A_283 = tpu.memref_slice %arg4[%mul3A_2, %dma_wait3A_281, %dma_wait3A_282] : memref<4096x50x128xf32, #tpu.memory_space<hbm>> -> memref<1x50x128xf32, #tpu.memory_space<hbm>>
    %dma_wait3A_284 = tpu.memref_squeeze %dma_wait3A_283 : memref<1x50x128xf32, #tpu.memory_space<hbm>> -> memref<50x128xf32, #tpu.memory_space<hbm>>
    %dma_wait3A_285 = arith.constant 0 : i32
    %dma_wait3A_286 = arith.constant 0 : i32
    %dma_wait3A_287 = tpu.memref_slice %arg13[%dma_wait3A_285, %dma_wait3A_286] : memref<100x128xf32, #tpu.memory_space<vmem>> -> memref<50x128xf32, #tpu.memory_space<vmem>>
    tpu.wait_dma2 semaphore(%arg29 : memref<!tpu.dma_semaphore, #tpu.memory_space<semaphore_mem>>) src(%dma_wait3A_287 : memref<50x128xf32, #tpu.memory_space<vmem>>) dst(%dma_wait3A_284 : memref<50x128xf32, #tpu.memory_space<hbm>>)
    return
  }
}

</mosaic_0001>

<sc_bundles>
// kernel: kernel.3.cloned.1.call-start
scs
__scs_entry_jumppad:
0x0: {  	(pc) =	sbr.rel $0x88, $3  }
0x1: {  	(tag) =	ssettag $0x0;
	lr =	simm.s32 $0x1  }
0x2: {  	[smem:$0x3F9F] =	sst lr;
	_ =	strace $0xD0000000  }
0x3: {  	_ = 	snop  }
0x4: {  	_ = 	snop  }
0x5: {  	_ = 	snop  }
0x6: {  	_ = 	snop  }
0x7: {  	_ = 	snop  }
__scs_overlays_trampoline_lowered:
0x8: {  	[smem:$0x3FAE] =	sst s0  }
0x9: {  	[smem:$0x3FAF] =	sst s1  }
0xa: {  	[smem:$0x3FB0] =	sst s2  }
0xb: {  	[smem:$0x3FB1] =	sst s3  }
0xc: {  	[smem:$0x3FB2] =	sst s4  }
0xd: {  	[smem:$0x3FB3] =	sst s5  }
0xe: {  	[smem:$0x3FB4] =	sst s6  }
0xf: {  	[smem:$0x3FB5] =	sst s7  }
0x10: {  	[smem:$0x3FB6] =	sst s8  }
0x11: {  	[smem:$0x3FB7] =	sst s9;
	s0 =	simm.s32 @!p0 $0x0  }
0x12: {  	s1 =	sld [smem:$0x3F9D];
	s0 =	simm.s32 @p0 $0x1  }
0x13: {  	[smem:$0x3FB8] =	sst s0;
	s0 =	simm.s32 @!p1 $0x0  }
0x14: {  	s2 =	sld [smem:$0x3F9C];
	s0 =	simm.s32 @p1 $0x1  }
0x15: {  	[smem:$0x3FB9] =	sst s0;
	s0 =	simm.s32 @!p2 $0x0  }
0x16: {  	s3 =	sld [smem:$0x3FDB];
	s0 =	simm.s32 @p2 $0x1  }
0x17: {  	s4 =	simm.s32 $0x1BF5;
	[smem:$0x3FBB] =	sst s0  }
0x18: {  	s0 =	sld [smem:$0x3F9E];
	_ =	swait.ge [sflag:s4], $0x0  }
0x19: {  	s7 =	sld [smem:$0x3F9F]  }
0x1a: {  	s8 =	sadd.s32 $0xFFFFE003, lr  }
0x1b: {  	s9 =	sadd.s32 $0xFFFFFEF7, lr;
	s5 =	simm.s32 $0xFFFFFFFF;
	p2 =	slt.u32 s8, $0xFFFFF086  }
0x1c: {  	p1 =	slt.u32 s9, $0xF7A;
	s5 =	simm.s32 @!p2 $0x0  }
0x1d: {  	s5 =	simm.s32 @p1 $0x1;
	p0 =	seq.s32 s7, s2  }
0x1e: {  	s7 =	smul.u32 @!p0 $0xF7A, s2;
	p2 =	seq.s32 @!p0 s5, $0x0  }
0x1f: {  	s9 =	smul.u32 $0xF7A, s1;
	s8 =	simm.s32 @!p0 $0x1BF5;
	p2 =	por !p2, p0  }
0x20: {  	[sflag:s8] =	ssyncset.s32 @!p0 $0xFFFFF086;
	s6 =	sadd.s32 @!p0 s3, s7;
	s7 =	simm.s32 @!p0 $0x108  }
0x21: {  	s3 =	sadd.s32 s3, s9;
	s6 =	sadd.s32 @!p0 $0x88, s6;
	s7 =	simm.s32 @p2 $0x1082  }
0x22: {  	[simem:s7], [sflag:s8] =	dma.local @!p0 [hbm:s6], $0xF7A  }
0x23: {  	s9 =	sor.u32 $0xD0000000, s2;
	s6 =	simm.s32 $0x108;
	_ =	swait.ge @!p0 [sflag:s8], $0x0  }
0x24: {  	s3 =	sadd.s32 $0x88, s3;
	s6 =	simm.s32 @!p1 $0x1082;
	[sflag:s4] =	ssyncset.s32 $0xFFFFF086  }
0x25: {  	[simem:s6], [sflag:s4] =	dma.local [hbm:s3], $0xF7A  }
0x26: {  	[smem:$0x3F9F] =	sst s1;
	(tag) =	ssettag s2;
	_ =	strace s9  }
0x27: {  	s1 =	sld [smem:$0x3FAF]  }
0x28: {  	s2 =	sld [smem:$0x3FB0]  }
0x29: {  	s4 =	sld [smem:$0x3FB2]  }
0x2a: {  	p0 =	seq.s32 s5, $0x0;
	s5 =	sld [smem:$0x3FB3]  }
0x2b: {  	s6 =	sld [smem:$0x3FB4]  }
0x2c: {  	s7 =	sld [smem:$0x3FB5]  }
0x2d: {  	s3 =	simm.s32 $0x108;
	s8 =	sld [smem:$0x3FB6]  }
0x2e: {  	s3 =	simm.s32 @!p0 $0x1082;
	s9 =	sld [smem:$0x3FB7]  }
0x2f: {  	lr =	sadd.s32 s0, s3;
	s0 =	sld [smem:$0x3FAE]  }
0x30: {  	s3 =	sld [smem:$0x3FB1]  }
0x31: {  	[smem:$0x3FBA] =	sst s10  }
0x32: {  	s10 =	sld [smem:$0x3FB8];
	_ =	sdelay $0x3  }
0x33: {  	p0 =	seq.s32 s10, $0x1;
	s10 =	sld [smem:$0x3FBA];
	_ =	sdelay $0x3  }
0x34: {  	[smem:$0x3FBA] =	sst s10  }
0x35: {  	s10 =	sld [smem:$0x3FB9];
	_ =	sdelay $0x3  }
0x36: {  	p1 =	seq.s32 s10, $0x1;
	s10 =	sld [smem:$0x3FBA];
	_ =	sdelay $0x3  }
0x37: {  	[smem:$0x3FBA] =	sst s10  }
0x38: {  	s10 =	sld [smem:$0x3FBB]  }
0x39: {  	_ = 	snop;
	(pc) =	sbr.ind lr, $3  }
0x3a: {  	_ = 	snop  }
0x3b: {  	_ = 	snop  }
0x3c: {  	p2 =	seq.s32 s10, $0x1;
	s10 =	sld [smem:$0x3FBA]  }
0x3d: {  	_ =	shalt  }
0x3e: {  	_ =	shalt  }
0x3f: {  	_ =	shalt  }
0x40: {  	_ =	shalt  }
0x41: {  	_ =	shalt  }
0x42: {  	_ =	shalt  }
0x43: {  	_ =	shalt  }
0x44: {  	_ =	shalt  }
0x45: {  	_ =	shalt  }
0x46: {  	_ =	shalt  }
0x47: {  	_ =	shalt  }
0x48: {  	_ =	shalt  }
0x49: {  	_ =	shalt  }
0x4a: {  	_ =	shalt  }
0x4b: {  	_ =	shalt  }
0x4c: {  	_ =	shalt  }
0x4d: {  	_ =	shalt  }
0x4e: {  	_ =	shalt  }
0x4f: {  	_ =	shalt  }
0x50: {  	_ =	shalt  }
0x51: {  	_ =	shalt  }
0x52: {  	_ =	shalt  }
0x53: {  	_ =	shalt  }
0x54: {  	_ =	shalt  }
0x55: {  	_ =	shalt  }
0x56: {  	_ =	shalt  }
0x57: {  	_ =	shalt  }
0x58: {  	_ =	shalt  }
0x59: {  	_ =	shalt  }
0x5a: {  	_ =	shalt  }
0x5b: {  	_ =	shalt  }
0x5c: {  	_ =	shalt  }
0x5d: {  	_ =	shalt  }
0x5e: {  	_ =	shalt  }
0x5f: {  	_ =	shalt  }
0x60: {  	_ =	shalt  }
0x61: {  	_ =	shalt  }
0x62: {  	_ =	shalt  }
0x63: {  	_ =	shalt  }
0x64: {  	_ =	shalt  }
0x65: {  	_ =	shalt  }
0x66: {  	_ =	shalt  }
0x67: {  	_ =	shalt  }
0x68: {  	_ =	shalt  }
0x69: {  	_ =	shalt  }
0x6a: {  	_ =	shalt  }
0x6b: {  	_ =	shalt  }
0x6c: {  	_ =	shalt  }
0x6d: {  	_ =	shalt  }
0x6e: {  	_ =	shalt  }
0x6f: {  	_ =	shalt  }
0x70: {  	_ =	shalt  }
0x71: {  	_ =	shalt  }
0x72: {  	_ =	shalt  }
0x73: {  	_ =	shalt  }
0x74: {  	_ =	shalt  }
0x75: {  	_ =	shalt  }
0x76: {  	_ =	shalt  }
0x77: {  	_ =	shalt  }
0x78: {  	_ =	shalt  }
0x79: {  	_ =	shalt  }
0x7a: {  	_ =	shalt  }
0x7b: {  	_ =	shalt  }
0x7c: {  	_ =	shalt  }
0x7d: {  	_ =	shalt  }
0x7e: {  	_ =	shalt  }
0x7f: {  	_ =	shalt  }
0x80: {  	_ =	shalt  }
0x81: {  	_ =	shalt  }
0x82: {  	_ =	shalt  }
0x83: {  	_ =	shalt  }
0x84: {  	_ =	shalt  }
0x85: {  	_ =	shalt  }
0x86: {  	_ =	shalt  }
0x87: {  	_ =	shalt  }
.Lfunc_end0:
.L_simem_size_0:
called_computation_lowered:
.L_overlay_start_0:
0x88: {  	s2 =	sld [smem:$0x3FD9]  }
0x89: {  	s3 =	sld [smem:$0x3FFE];
	_ =	sdelay $0x1  }
0x8a: {  	s1 =	srdreg.scid  }
0x8b: {  	s0 =	sand.u32 $0x1, s1  }
0x8c: {  	s17 =	sshll.u32 s0, $0xA;
	s2 =	sadd.s32 s3, s2  }
0x8d: {  	s2 =	sadd.s32 s2, s17  }
0x8e: {  	[smem:$0x3FC6] =	sst s2  }
0x8f: {  	_ = 	snop  }
0x90: {  	s2 =	sld [smem:$0x3FC8]  }
0x91: {  	s18 =	sld [smem:$0x3FD0];
	(tm) =	ssettm $0x1  }
0x92: {  	s4 =	sld [smem:$0x3FFB];
	_ =	sdelay $0x3  }
0x93: {  	_ =	strace s4  }
0x94: {  	s4 =	sld [smem:$0x3FFC];
	_ =	sdelay $0x3  }
0x95: {  	_ =	strace s4  }
0x96: {  	s4 =	sld [smem:$0x3FFD];
	_ =	sdelay $0x3  }
0x97: {  	_ =	strace s4  }
0x98: {  	_ =	strace $0x8FFFFFFF  }
0x99: {  	s19 =	sld [smem:$0x3FDB];
	_ =	sdelay $0x1  }
0x9a: {  	s5 =	simm.s32 $_scs_section_size  }
0x9b: {  	s6 =	simm.s32 $_size__tile_overlayer_lowered;
	s7 =	simm.s32 $_tile_overlayer_lowered  }
0x9c: {  	s22 =	simm.s32 $0x1BFF;
	s21 =	sshll.u32 s7, $0x1;
	s4 =	sadd.s32 s5, s19  }
0x9d: {  	s8 =	simm.s32 $0x0;
	s20 =	sshll.u32 s6, $0x1;
	s6 =	sadd.s32 s21, s4  }
0x9e: {  	[timem:s8], [sflag:s22] =	dma.local [hbm:s6], s20  }
0x9f: {  	_ =	swait.ge [sflag:s22], s20  }
0xa0: {  	s5 =	ssub.s32 $0x0, s20;
	[sflag:s22] =	ssyncset.done $0x0  }
0xa1: {  	[sflag:s22] =	ssyncadd.s32 s5;
	_ =	sdelay $0x1  }
0xa2: {  	s23 =	simm.s32 $0x1B8B  }
0xa3: {  	_ =	swait.ge [sflag:s23], $0x1  }
0xa4: {  	[sflag:s23] =	ssyncset.done $0x0  }
0xa5: {  	s25 =	simm.s32 $0x1B8E;
	s24 =	sld [smem:$0x3FFE];
	[sflag:s23] =	ssyncadd.s32 $0xFFFFFFFF  }
0xa6: {  	s26 =	simm.s32 $execute0_lowered;
	[smem:$0x3FD2] =	sst s25  }
0xa7: {  	s6 =	sshll.u32 s26, $0x1;
	_ =	strace $0x80000046;
	[dreg:$0x1] =	wrdreg $0xFFFFFFFF  }
0xa8: {  	s28 =	simm.s32 $_size_execute0_lowered;
	s4 =	sadd.s32 s4, s6;
	[dreg:$0x0] =	wrdreg $0x0  }
0xa9: {  	s6 =	sshll.u32 s28, $0x1;
	[dreg:$0x2] =	wrdreg s4  }
0xaa: {  	[dreg:$0x3] =	wrdreg s6  }
0xab: {  	[dreg:$0x4] =	wrdreg $0xC0  }
0xac: {  	_ =	task [dreg:s8], $0x5FFFF  }
0xad: {  	[dreg:$0x1] =	wrdreg $0xFFFFFFFF  }
0xae: {  	[dreg:$0x0] =	wrdreg $0x60  }
0xaf: {  	[dreg:$0x2] =	wrdreg s18  }
0xb0: {  	[dreg:$0x3] =	wrdreg s2  }
0xb1: {  	[dreg:$0x4] =	wrdreg s24  }
0xb2: {  	[dreg:$0x5] =	wrdreg $0x9  }
0xb3: {  	_ =	task.clear_ibuf [dreg:s8], $0x6FFFF;
	_ =	strace $0x90000046  }
0xb4: {  	s29 =	simm.s32 $0x9;
	_ =	strace $0x80000048  }
0xb5: {  	_ =	swait.ge [sflag:s29], $0x1  }
0xb6: {  	[sflag:s29] =	ssyncadd.s32 $0xFFFFFFFF  }
0xb7: {  	_ =	strace $0x90000048  }
0xb8: {  	_ =	sfence  }
0xb9: {  	s30 =	sld [smem:$0x0];
	_ =	sdelay $0x2  }
0xba: {  	s31 =	sshll.u32 s1, $0xD;
	s1 =	sshrl.u32 s1, $0x2  }
0xbb: {  	s3 =	sand.u32 $0x4000, s31;
	s1 =	sadd.s32 s1, s30  }
0xbc: {  	s0 =	sor.u32 s3, s0;
	s1 =	sshll.u32 s1, $0x11  }
0xbd: {  	s0 =	sor.u32 s1, s0  }
0xbe: {  	s0 =	sadd.s32 $0x8F2B, s0  }
0xbf: {  	[sflag:s0] =	ssyncadd.remote.s32 $0x1  }
0xc0: {  	_ =	sfence.sel $0xFFFF  }
0xc1: {  	[dreg:$0x0] =	wrdreg $0xFFFFFFFF;
	(pc) =	sbr.abs _section_cstart, $3  }
0xc2: {  	[dreg:$0x1] =	wrdreg $0xFFFFFFFF  }
0xc3: {  	_ =	task.clear_ibuf [dreg:s8], $0x2FFFF;
	_ =	strace $0x9FFFFFFF  }
0xc4: {  	(tm) =	ssettm $0x7FFFFFFF  }
0xc5: {  	_ =	shalt  }
tec
execute0_lowered:
.L_overlay_start_1:
0x0: {  	(tag) =	ssettag $0x1  }
0x1: {  	s0 =	rddreg [dreg:$0x0]  }
0x2: {  	s2 =	rddreg [dreg:$0x1]  }
0x3: {  	s1 =	rddreg [dreg:$0x2];
	s4 =	srdreg.scid  }
0x4: {  	s10 =	stileid.u32;
	s3 =	simm.s32 $0x0;
	s14 =	simm.s32 $0x64  }
0x5: {  	s12 =	simm.s32 $0x2000;
	s15 =	simm.s32 $0x5400;
	s28 =	simm.s32 $0x15800  }
0x6: {  	s30 =	simm.s32 $0x18C00;
	s13 =	simm.s32 $0x7;
	s29 =	simm.s32 $0xA  }
0x7: {  	s4 =	sand.u32 $0x1, s4;
	s5 =	smul.u32 $0x1C0000, s10;
	[smem:$0x7FF] =	sst s3  }
0x8: {  	s1 =	sadd.s32 $0x400, s1;
	s8 =	sshll.u32 s10, $0xB;
	s19 =	smul.u32 $0x38000, s10  }
0x9: {  	s10 =	simm.s32 $0x0;
	s6 =	smul.u32 $0xE0000, s4;
	_ =	strace $0x80000047  }
0xa: {  	s7 =	ssub.s32 $0x2, s4;
	s9 =	sshll.u32 s4, $0xA;
	s4 =	smul.u32 $0x1C000, s4  }
0xb: {  	s16 =	sshrl.u32 s7, $0x1;
	s8 =	sor.u32 s9, s8;
	s5 =	sadd.s32 s6, s5  }
0xc: {  	s6 =	ssub.s32 s7, s16;
	s0 =	sadd.s32 s0, s8;
	s16 =	simm.s32 $0x8  }
0xd: {  	s8 =	simm.s32 $0x10;
	s17 =	sor.u32 $0x1A400, s5;
	[dreg:$0x4] =	wrdreg s0  }
0xe: {  	s6 =	smax.u32 s6, $0x1;
	s20 =	sor.u32 $0x16C00, s5;
	s21 =	sor.u32 $0x13400, s5  }
0xf: {  	s24 =	sor.u32 $0xC400, s5;
	s25 =	sor.u32 $0x8C00, s5;
	s5 =	sor.u32 $0x5400, s5  }
0x10: {  	s18 =	sshrl.u32 s17, $0x3;
	[dreg:$0x5] =	wrdreg s6;
	s6 =	sshrl.u32 s20, $0x3  }
0x11: {  	s7 =	sshrl.u32 s21, $0x3;
	s5 =	sshrl.u32 s5, $0x3;
	s21 =	simm.s32 $0xBC00  }
0x12: {  	s20 =	simm.s32 $0xD;
	s17 =	simm.s32 $0x2000;
	s0 =	sadd.s32 s18, s1  }
0x13: {  	s22 =	sadd.s32 s6, s1;
	s23 =	sadd.s32 s7, s1;
	[dreg:$0x6] =	wrdreg s0  }
0x14: {  	s31 =	sadd.s32 s5, s1;
	s18 =	simm.s32 $0x3;
	[dreg:$0x8] =	wrdreg s22  }
0x15: {  	s5 =	simm.s32 $0xB;
	s6 =	simm.s32 $0xE;
	[dreg:$0x9] =	wrdreg s23  }
0x16: {  	s7 =	simm.s32 $0xF;
	s0 =	sadd.s32 s19, s1;
	[dreg:$0xc] =	wrdreg s31  }
0x17: {  	s19 =	simm.s32 $0x8800;
	s23 =	simm.s32 $0xF000;
	s22 =	simm.s32 $0x4  }
.Ltmp0:
0x18: {  	s0 =	sadd.s32 s4, s0;
	s4 =	sshrl.u32 s25, $0x3;
	(pc) =	sbr.rel .LBB2_1-.Ltmp0, $4  }
0x19: {  	s25 =	simm.s32 $0x12400;
	[dreg:$0x7] =	wrdreg s0;
	s0 =	sshrl.u32 s24, $0x3  }
0x1a: {  	s26 =	sadd.s32 s4, s1;
	s4 =	simm.s32 $0x6;
	s24 =	simm.s32 $0x9  }
0x1b: {  	s0 =	sadd.s32 s0, s1;
	[dreg:$0xb] =	wrdreg s26;
	s1 =	simm.s32 $0x2  }
0x1c: {  	s26 =	simm.s32 $0x5;
	[dreg:$0xa] =	wrdreg s0;
	s0 =	simm.s32 $0xC  }
.LBB2_4:
0x1d: {  	_ =	swait.ge [sflag:s29], $0x1900  }
0x1e: {  	[sflag:s29] =	ssyncset.done $0x0  }
0x1f: {  	[sflag:s29] =	ssyncadd.s32 $0xFFFFE700  }
0x20: {  	_ =	swait.ge [sflag:s29], $0x1900  }
0x21: {  	[sflag:s29] =	ssyncset.done $0x0  }
0x22: {  	[sflag:s29] =	ssyncadd.s32 $0xFFFFE700  }
0x23: {  	_ =	swait.ge [sflag:s5], $0x1900  }
0x24: {  	[sflag:s5] =	ssyncset.done $0x0  }
0x25: {  	[sflag:s5] =	ssyncadd.s32 $0xFFFFE700  }
0x26: {  	_ =	swait.ge [sflag:s5], $0x1900  }
0x27: {  	[sflag:s5] =	ssyncset.done $0x0  }
0x28: {  	[sflag:s5] =	ssyncadd.s32 $0xFFFFE700  }
0x29: {  	_ =	swait.ge [sflag:s0], $0x1900  }
0x2a: {  	[sflag:s0] =	ssyncset.done $0x0  }
0x2b: {  	[sflag:s0] =	ssyncadd.s32 $0xFFFFE700  }
0x2c: {  	_ =	swait.ge [sflag:s0], $0x1900  }
0x2d: {  	[sflag:s0] =	ssyncset.done $0x0  }
0x2e: {  	[sflag:s0] =	ssyncadd.s32 $0xFFFFE700  }
0x2f: {  	_ =	swait.ge [sflag:s20], $0x1900  }
0x30: {  	[sflag:s20] =	ssyncset.done $0x0  }
0x31: {  	[sflag:s20] =	ssyncadd.s32 $0xFFFFE700  }
0x32: {  	_ =	swait.ge [sflag:s20], $0x1900  }
0x33: {  	[sflag:s20] =	ssyncset.done $0x0  }
0x34: {  	[sflag:s20] =	ssyncadd.s32 $0xFFFFE700  }
0x35: {  	_ =	swait.ge [sflag:s6], $0x1900  }
0x36: {  	[sflag:s6] =	ssyncset.done $0x0  }
0x37: {  	[sflag:s6] =	ssyncadd.s32 $0xFFFFE700  }
0x38: {  	_ =	swait.ge [sflag:s6], $0x1900  }
0x39: {  	[sflag:s6] =	ssyncset.done $0x0  }
0x3a: {  	[sflag:s6] =	ssyncadd.s32 $0xFFFFE700  }
0x3b: {  	_ =	swait.ge [sflag:s7], $0x1900  }
0x3c: {  	[sflag:s7] =	ssyncset.done $0x0  }
0x3d: {  	[sflag:s7] =	ssyncadd.s32 $0xFFFFE700  }
0x3e: {  	_ =	swait.ge [sflag:s7], $0x1900  }
0x3f: {  	[sflag:s7] =	ssyncset.done $0x0  }
0x40: {  	[sflag:s7] =	ssyncadd.s32 $0xFFFFE700  }
0x41: {  	_ =	swait.ge [sflag:s8], $0x1900  }
0x42: {  	[sflag:s8] =	ssyncset.done $0x0  }
0x43: {  	[sflag:s8] =	ssyncadd.s32 $0xFFFFE700  }
0x44: {  	_ =	swait.ge [sflag:s8], $0x1900  }
0x45: {  	s10 =	rddreg [dreg:$0xd]  }
0x46: {  	s9 =	rddreg [dreg:$0x5];
	s10 =	sadd.s32 $0x1, s10  }
0x47: {  	p0 =	sne.s32 s10, s9  }
.Ltmp1:
0x48: {  	_ = 	snop;
	(pc) =	sbr.rel @!p0 .LBB2_5-.Ltmp1, $3  }
0x49: {  	_ =	sdelay $0x1  }
0x4a: {  	[sflag:s8] =	ssyncset.done $0x0  }
0x4b: {  	s12 =	simm.s32 $0x2000;
	[sflag:s8] =	ssyncadd.s32 $0xFFFFE700  }
.LBB2_1:
0x4c: {  	[dreg:$0xd] =	wrdreg s10  }
0x4d: {  	s9 =	rddreg [dreg:$0x4];
	s11 =	simm.s32 $0x11  }
0x4e: {  	[tilespmem:s3], [sflag:$0x11] =	stream.linear.gather [hbm4b:s9+s3], $0x2000, $0x38;
	[tilespmem:$0x1C000] =	vst v63  }
0x4f: {  	_ =	swait.ge [sflag:s11], $0x2000  }
0x50: {  	[sflag:s11] =	ssyncset.done $0x0  }
0x51: {  	[sflag:s11] =	ssyncadd.s32 $0xFFFFE000  }
0x52: {  	[tilespmem:s12], [sflag:$0x1] =	stream.indirect.gather [hbm4b:s2+s14], $0x80, s3, s14, $0xb8;
	[tilespmem:$0x1C000] =	vst v63  }
0x53: {  	s10 =	simm.s32 $0x80  }
0x54: {  	[tilespmem:s15], [sflag:$0x2] =	stream.indirect.gather [hbm4b:s2+s14], $0x80, s10, s14, $0xb8;
	[tilespmem:$0x1C000] =	vst v63  }
0x55: {  	s11 =	simm.s32 $0x100  }
0x56: {  	[tilespmem:s19], [sflag:$0x3] =	stream.indirect.gather [hbm4b:s2+s14], $0x80, s11, s14, $0xb8;
	[tilespmem:$0x1C000] =	vst v63  }
0x57: {  	s15 =	simm.s32 $0x180  }
0x58: {  	[tilespmem:s21], [sflag:$0x4] =	stream.indirect.gather [hbm4b:s2+s14], $0x80, s15, s14, $0xb8;
	[tilespmem:$0x1C000] =	vst v63  }
0x59: {  	s19 =	simm.s32 $0x200  }
0x5a: {  	[tilespmem:s23], [sflag:$0x5] =	stream.indirect.gather [hbm4b:s2+s14], $0x80, s19, s14, $0xb8;
	[tilespmem:$0x1C000] =	vst v63  }
0x5b: {  	s31 =	simm.s32 $0x18C00;
	s9 =	simm.s32 $0x780;
	s21 =	simm.s32 $0x280  }
0x5c: {  	[tilespmem:s25], [sflag:$0x6] =	stream.indirect.gather [hbm4b:s2+s14], $0x80, s21, s14, $0xb8;
	[tilespmem:$0x1C000] =	vst v63  }
0x5d: {  	s10 =	simm.s32 $0x0;
	s23 =	simm.s32 $0x300;
	s19 =	simm.s32 $0x5400  }
0x5e: {  	[tilespmem:s28], [sflag:$0x7] =	stream.indirect.gather [hbm4b:s2+s14], $0x80, s23, s14, $0xb8;
	[tilespmem:$0x1C000] =	vst v63  }
0x5f: {  	s25 =	simm.s32 $0x380;
	s21 =	simm.s32 $0x8800;
	s28 =	simm.s32 $0x12400  }
0x60: {  	[tilespmem:s30], [sflag:$0x8] =	stream.indirect.gather [hbm4b:s2+s14], $0x80, s25, s14, $0xb8;
	[tilespmem:$0x1C000] =	vst v63  }
0x61: {  	s23 =	simm.s32 $0xBC00;
	s30 =	simm.s32 $0x15800;
	s25 =	simm.s32 $0xF000  }
.LBB2_2:
0x62: {  	s11 =	simm.s32 $0x1  }
0x63: {  	_ =	swait.ge [sflag:s11], $0x3200  }
0x64: {  	[sflag:s11] =	ssyncset.done $0x0;
	s15 =	rddreg [dreg:$0x7]  }
0x65: {  	[sflag:s11] =	ssyncadd.s32 $0xFFFFCE00;
	s11 =	sadd.s32 s10, s15  }
0x66: {  	[hbm4b:s11+s3] =	stream.linear.scatter [tilespmem:s12], [sflag:$0x9], $0x1900, $0x38;
	[tilespmem:$0x1C000] =	vst v63  }
0x67: {  	s15 =	simm.s32 $0x3900;
	s12 =	sadd.s32 $0x380, s11  }
0x68: {  	[hbm4b:s12+s3] =	stream.linear.scatter [tilespmem:s15], [sflag:$0x9], $0x1900, $0x38;
	[tilespmem:$0x1C000] =	vst v63  }
0x69: {  	_ =	swait.ge [sflag:s1], $0x3200  }
0x6a: {  	[sflag:s1] =	ssyncset.done $0x0  }
0x6b: {  	s15 =	sadd.s32 $0x700, s11;
	[sflag:s1] =	ssyncadd.s32 $0xFFFFCE00  }
0x6c: {  	[hbm4b:s15+s3] =	stream.linear.scatter [tilespmem:s19], [sflag:$0xA], $0x1900, $0x38;
	[tilespmem:$0x1C000] =	vst v63  }
0x6d: {  	s15 =	rddreg [dreg:$0xc]  }
0x6e: {  	s19 =	simm.s32 $0x6D00;
	s12 =	sadd.s32 s10, s15  }
0x6f: {  	[hbm4b:s12+s3] =	stream.linear.scatter [tilespmem:s19], [sflag:$0xA], $0x1900, $0x38;
	[tilespmem:$0x1C000] =	vst v63  }
0x70: {  	_ =	swait.ge [sflag:s18], $0x3200  }
0x71: {  	[sflag:s18] =	ssyncset.done $0x0  }
0x72: {  	s15 =	sadd.s32 $0xE00, s11;
	s19 =	rddreg [dreg:$0xb];
	[sflag:s18] =	ssyncadd.s32 $0xFFFFCE00  }
0x73: {  	[hbm4b:s15+s3] =	stream.linear.scatter [tilespmem:s21], [sflag:$0xB], $0x1900, $0x38;
	[tilespmem:$0x1C000] =	vst v63  }
0x74: {  	s12 =	sadd.s32 s10, s19;
	s21 =	simm.s32 $0xA100  }
0x75: {  	[hbm4b:s12+s3] =	stream.linear.scatter [tilespmem:s21], [sflag:$0xB], $0x1900, $0x38;
	[tilespmem:$0x1C000] =	vst v63  }
0x76: {  	_ =	swait.ge [sflag:s22], $0x3200  }
0x77: {  	[sflag:s22] =	ssyncset.done $0x0  }
0x78: {  	s15 =	sadd.s32 $0x1500, s11;
	s19 =	rddreg [dreg:$0xa];
	[sflag:s22] =	ssyncadd.s32 $0xFFFFCE00  }
0x79: {  	[hbm4b:s15+s3] =	stream.linear.scatter [tilespmem:s23], [sflag:$0xC], $0x1900, $0x38;
	[tilespmem:$0x1C000] =	vst v63  }
0x7a: {  	s21 =	simm.s32 $0xD500;
	s12 =	sadd.s32 s10, s19  }
0x7b: {  	[hbm4b:s12+s3] =	stream.linear.scatter [tilespmem:s21], [sflag:$0xC], $0x1900, $0x38;
	[tilespmem:$0x1C000] =	vst v63  }
0x7c: {  	_ =	swait.ge [sflag:s26], $0x3200  }
0x7d: {  	[sflag:s26] =	ssyncset.done $0x0  }
0x7e: {  	s23 =	sadd.s32 $0x1C00, s11;
	[sflag:s26] =	ssyncadd.s32 $0xFFFFCE00  }
0x7f: {  	[hbm4b:s23+s3] =	stream.linear.scatter [tilespmem:s25], [sflag:$0xD], $0x1900, $0x38;
	[tilespmem:$0x1C000] =	vst v63  }
0x80: {  	s19 =	simm.s32 $0x10900;
	s15 =	sadd.s32 $0x1F80, s11  }
0x81: {  	[hbm4b:s15+s3] =	stream.linear.scatter [tilespmem:s19], [sflag:$0xD], $0x1900, $0x38;
	[tilespmem:$0x1C000] =	vst v63  }
0x82: {  	_ =	swait.ge [sflag:s4], $0x3200  }
0x83: {  	[sflag:s4] =	ssyncset.done $0x0  }
0x84: {  	s21 =	sadd.s32 $0x2300, s11;
	s23 =	rddreg [dreg:$0x9];
	[sflag:s4] =	ssyncadd.s32 $0xFFFFCE00  }
0x85: {  	[hbm4b:s21+s3] =	stream.linear.scatter [tilespmem:s28], [sflag:$0xE], $0x1900, $0x38;
	[tilespmem:$0x1C000] =	vst v63  }
0x86: {  	s25 =	simm.s32 $0x13D00;
	s12 =	sadd.s32 s10, s23  }
0x87: {  	[hbm4b:s12+s3] =	stream.linear.scatter [tilespmem:s25], [sflag:$0xE], $0x1900, $0x38;
	[tilespmem:$0x1C000] =	vst v63  }
0x88: {  	_ =	swait.ge [sflag:s13], $0x3200  }
0x89: {  	[sflag:s13] =	ssyncset.done $0x0  }
0x8a: {  	s19 =	sadd.s32 $0x2A00, s11;
	s21 =	rddreg [dreg:$0x8];
	[sflag:s13] =	ssyncadd.s32 $0xFFFFCE00  }
0x8b: {  	[hbm4b:s19+s3] =	stream.linear.scatter [tilespmem:s30], [sflag:$0xF], $0x1900, $0x38;
	[tilespmem:$0x1C000] =	vst v63  }
0x8c: {  	s23 =	simm.s32 $0x17100;
	s12 =	sadd.s32 s10, s21  }
0x8d: {  	[hbm4b:s12+s3] =	stream.linear.scatter [tilespmem:s23], [sflag:$0xF], $0x1900, $0x38;
	[tilespmem:$0x1C000] =	vst v63  }
0x8e: {  	_ =	swait.ge [sflag:s16], $0x3200  }
0x8f: {  	[sflag:s16] =	ssyncset.done $0x0  }
0x90: {  	s11 =	sadd.s32 $0x3100, s11;
	s25 =	rddreg [dreg:$0x6];
	[sflag:s16] =	ssyncadd.s32 $0xFFFFCE00  }
0x91: {  	[hbm4b:s11+s3] =	stream.linear.scatter [tilespmem:s31], [sflag:$0x10], $0x1900, $0x38;
	[tilespmem:$0x1C000] =	vst v63  }
0x92: {  	s11 =	sadd.s32 s10, s25;
	s31 =	simm.s32 $0x1A500  }
0x93: {  	[hbm4b:s11+s3] =	stream.linear.scatter [tilespmem:s31], [sflag:$0x10], $0x1900, $0x38;
	[tilespmem:$0x1C000] =	vst v63  }
0x94: {  	p0 =	seq.s32 s10, $0x18800;
	_ =	swait.ge [sflag:s24], $0x1900  }
.Ltmp2:
0x95: {  	[sflag:s24] =	ssyncset.done $0x0;
	(pc) =	sbr.rel @p0 .LBB2_4-.Ltmp2, $4  }
0x96: {  	s15 =	simm.s32 $0x5400;
	[sflag:s24] =	ssyncadd.s32 $0xFFFFE700  }
0x97: {  	s28 =	simm.s32 $0x15800;
	s21 =	simm.s32 $0xBC00;
	_ =	swait.ge [sflag:s24], $0x1900  }
0x98: {  	s19 =	simm.s32 $0x8800;
	s30 =	simm.s32 $0x18C00;
	[sflag:s24] =	ssyncset.done $0x0  }
0x99: {  	s23 =	simm.s32 $0xF000;
	s25 =	simm.s32 $0x12400;
	[sflag:s24] =	ssyncadd.s32 $0xFFFFE700  }
0x9a: {  	s11 =	sadd.s32 $0xFFFFFC80, s9  }
0x9b: {  	[tilespmem:s17], [sflag:$0x1] =	stream.indirect.gather [hbm4b:s2+s14], $0x80, s11, s14, $0xb8;
	[tilespmem:$0x1C000] =	vst v63  }
0x9c: {  	_ =	swait.ge [sflag:s29], $0x1900  }
0x9d: {  	[sflag:s29] =	ssyncset.done $0x0  }
0x9e: {  	[sflag:s29] =	ssyncadd.s32 $0xFFFFE700  }
0x9f: {  	_ =	swait.ge [sflag:s29], $0x1900  }
0xa0: {  	[sflag:s29] =	ssyncset.done $0x0  }
0xa1: {  	s12 =	sadd.s32 $0xFFFFFD00, s9;
	[sflag:s29] =	ssyncadd.s32 $0xFFFFE700  }
0xa2: {  	[tilespmem:s15], [sflag:$0x2] =	stream.indirect.gather [hbm4b:s2+s14], $0x80, s12, s14, $0xb8;
	[tilespmem:$0x1C000] =	vst v63  }
0xa3: {  	_ =	swait.ge [sflag:s5], $0x1900  }
0xa4: {  	[sflag:s5] =	ssyncset.done $0x0  }
0xa5: {  	[sflag:s5] =	ssyncadd.s32 $0xFFFFE700  }
0xa6: {  	_ =	swait.ge [sflag:s5], $0x1900  }
0xa7: {  	[sflag:s5] =	ssyncset.done $0x0  }
0xa8: {  	s15 =	sadd.s32 $0xFFFFFD80, s9;
	[sflag:s5] =	ssyncadd.s32 $0xFFFFE700  }
0xa9: {  	[tilespmem:s19], [sflag:$0x3] =	stream.indirect.gather [hbm4b:s2+s14], $0x80, s15, s14, $0xb8;
	[tilespmem:$0x1C000] =	vst v63  }
0xaa: {  	_ =	swait.ge [sflag:s0], $0x1900  }
0xab: {  	[sflag:s0] =	ssyncset.done $0x0  }
0xac: {  	[sflag:s0] =	ssyncadd.s32 $0xFFFFE700  }
0xad: {  	_ =	swait.ge [sflag:s0], $0x1900  }
0xae: {  	[sflag:s0] =	ssyncset.done $0x0  }
0xaf: {  	s19 =	sadd.s32 $0xFFFFFE00, s9;
	[sflag:s0] =	ssyncadd.s32 $0xFFFFE700  }
0xb0: {  	[tilespmem:s21], [sflag:$0x4] =	stream.indirect.gather [hbm4b:s2+s14], $0x80, s19, s14, $0xb8;
	[tilespmem:$0x1C000] =	vst v63  }
0xb1: {  	_ =	swait.ge [sflag:s20], $0x1900  }
0xb2: {  	[sflag:s20] =	ssyncset.done $0x0  }
0xb3: {  	[sflag:s20] =	ssyncadd.s32 $0xFFFFE700  }
0xb4: {  	_ =	swait.ge [sflag:s20], $0x1900  }
0xb5: {  	[sflag:s20] =	ssyncset.done $0x0  }
0xb6: {  	s21 =	sadd.s32 $0xFFFFFE80, s9;
	[sflag:s20] =	ssyncadd.s32 $0xFFFFE700  }
0xb7: {  	[tilespmem:s23], [sflag:$0x5] =	stream.indirect.gather [hbm4b:s2+s14], $0x80, s21, s14, $0xb8;
	[tilespmem:$0x1C000] =	vst v63  }
0xb8: {  	_ =	swait.ge [sflag:s6], $0x1900  }
0xb9: {  	[sflag:s6] =	ssyncset.done $0x0  }
0xba: {  	[sflag:s6] =	ssyncadd.s32 $0xFFFFE700  }
0xbb: {  	_ =	swait.ge [sflag:s6], $0x1900  }
0xbc: {  	[sflag:s6] =	ssyncset.done $0x0  }
0xbd: {  	s23 =	sadd.s32 $0xFFFFFF00, s9;
	[sflag:s6] =	ssyncadd.s32 $0xFFFFE700  }
0xbe: {  	[tilespmem:s25], [sflag:$0x6] =	stream.indirect.gather [hbm4b:s2+s14], $0x80, s23, s14, $0xb8;
	[tilespmem:$0x1C000] =	vst v63  }
0xbf: {  	_ =	swait.ge [sflag:s7], $0x1900  }
0xc0: {  	[sflag:s7] =	ssyncset.done $0x0  }
0xc1: {  	[sflag:s7] =	ssyncadd.s32 $0xFFFFE700  }
0xc2: {  	_ =	swait.ge [sflag:s7], $0x1900  }
0xc3: {  	[sflag:s7] =	ssyncset.done $0x0  }
0xc4: {  	s25 =	sadd.s32 $0xFFFFFF80, s9;
	[sflag:s7] =	ssyncadd.s32 $0xFFFFE700  }
0xc5: {  	[tilespmem:s28], [sflag:$0x7] =	stream.indirect.gather [hbm4b:s2+s14], $0x80, s25, s14, $0xb8;
	[tilespmem:$0x1C000] =	vst v63  }
0xc6: {  	_ =	swait.ge [sflag:s8], $0x1900  }
0xc7: {  	[sflag:s8] =	ssyncset.done $0x0  }
0xc8: {  	s10 =	sadd.s32 $0x3800, s10;
	s31 =	simm.s32 $0x18C00;
	[sflag:s8] =	ssyncadd.s32 $0xFFFFE700  }
.Ltmp3:
0xc9: {  	s12 =	simm.s32 $0x2000;
	_ =	swait.ge [sflag:s8], $0x1900;
	(pc) =	sbr.rel .LBB2_2-.Ltmp3, $4  }
0xca: {  	s19 =	simm.s32 $0x5400;
	s21 =	simm.s32 $0x8800;
	[sflag:s8] =	ssyncset.done $0x0  }
0xcb: {  	s23 =	simm.s32 $0xBC00;
	s28 =	simm.s32 $0x12400;
	[sflag:s8] =	ssyncadd.s32 $0xFFFFE700  }
0xcc: {  	[tilespmem:s30], [sflag:$0x8] =	stream.indirect.gather [hbm4b:s2+s14], $0x80, s9, s14, $0xb8;
	[tilespmem:$0x1C000] =	vst v63  }
0xcd: {  	s25 =	simm.s32 $0xF000;
	s9 =	sadd.s32 $0x400, s9;
	s30 =	simm.s32 $0x15800  }
.LBB2_5:
0xce: {  	_ =	sfence.sel $0x180000  }
0xcf: {  	[bflag:$0x0] =	sbarrier.arrive $0xFFFF  }
0xd0: {  	_ =	strace $0x90000047  }
0xd1: {  	s0 =	stileid.u32;
	[bflag:$0x2] =	sbarrier.arrive $0xFFFF  }
0xd2: {  	p0 =	sne.s32 s0, $0x0;
	s0 =	rddreg [dreg:$0x3]  }
0xd3: {  	s0 =	sadd.s32 @!p0 $0x100000, s0  }
0xd4: {  	[sflag:s0] =	ssyncadd.tile.s32 @!p0 $0x1;
	_ =	shalt  }
.Lfunc_end2:
_tile_overlayer_lowered:
.L_overlay_start_2:
0xd5: {  	(tag) =	ssettag $0x2  }
0xd6: {  	s0 =	rddreg [dreg:$0x0];
	s2 =	stileid.u32  }
0xd7: {  	s1 =	rddreg [dreg:$0x1];
	p0 =	sne.s32 s2, $0x0  }
0xd8: {  	s3 =	rddreg [dreg:$0x2];
	[bflag:$0x3] =	sbarrier.arrive $0xFFFF;
	s2 =	simm.s32 @!p0 $0x1C11  }
0xd9: {  	[timem:s3], [sflag:s2] =	dma.local @!p0 [hbm:s0], s1  }
0xda: {  	s0 =	simm.s32 @!p0 $0x11  }
0xdb: {  	_ =	swait.ge @!p0 [sflag:s0], s1  }
0xdc: {  	s1 =	ssub.s32 @!p0 $0x0, s1;
	[sflag:s0] =	ssyncset.done @!p0 $0x0  }
0xdd: {  	[sflag:s0] =	ssyncadd.s32 @!p0 s1  }
0xde: {  	[bflag:$0x3] =	sbarrier.arrive $0xFFFF  }
0xdf: {  	_ =	shalt  }

</sc_bundles>
